<compile_context>
chip_gen: v7x
topology: tpu7x:2x2x1
jax: 0.10.2.dev20260603
libtpu: 0.0.44.dev20260713+nightly
codegen_flags: <defaults>
</compile_context>

<pallas_src>
import functools

import jax
import jax.numpy as jnp
from jax import lax
from jax.experimental import pallas as pl
from jax.experimental.pallas import tpu as pltpu
from jax.experimental.pallas import tpu_sc as plsc

R = 16
C = 1000000
W = 16384
NBLK = (C + W - 1) // W



def _rotl(x, r):
    return (x << jnp.uint32(r)) | (x >> jnp.uint32(32 - r))


def _threefry_rounds(x0, x1, rots):
    for r in rots:
        x0 = x0 + x1
        x1 = _rotl(x1, r)
        x1 = x1 ^ x0
    return x0, x1


def _gumbel_bits(flat_u32):
    k0 = jnp.uint32(0)
    k1 = jnp.uint32(42)
    k2 = jnp.uint32(42 ^ 0x1BD11BDA)
    ra = (13, 15, 26, 6)
    rb = (17, 29, 16, 24)
    x1i = flat_u32 + k1
    x0 = x1i
    x1 = _rotl(x1i, 13) ^ x0
    x0, x1 = _threefry_rounds(x0, x1, (15, 26, 6))
    x0, x1 = x0 + k1, x1 + (k2 + jnp.uint32(1))
    x0, x1 = _threefry_rounds(x0, x1, rb)
    x0, x1 = x0 + k2, x1 + (k0 + jnp.uint32(2))
    x0, x1 = _threefry_rounds(x0, x1, ra)
    x0, x1 = x0 + k0, x1 + (k1 + jnp.uint32(3))
    x0, x1 = _threefry_rounds(x0, x1, rb)
    x0, x1 = x0 + k1, x1 + (k2 + jnp.uint32(4))
    x0, x1 = _threefry_rounds(x0, x1, ra)
    x0, x1 = x0 + k2, x1 + (k0 + jnp.uint32(5))
    return x0 ^ x1


IW = 8192


def _argmax_body(logits_ref, ind_ref, zeros_ref, sbv_ref, sbi_ref):
    zeros_ref[...] = jnp.zeros((R, W), jnp.float32)
    pid = pl.program_id(0)

    @pl.when(pid == 0)
    def _():
        sbv_ref[...] = jnp.full((R, IW), -jnp.inf, jnp.float32)
        sbi_ref[...] = jnp.zeros((R, IW), jnp.int32)

    c0 = pid * W
    eps = jnp.float32(1e-20)
    neginf = jnp.float32(-jnp.inf)

    def inner(k, carry):
        colg = lax.broadcasted_iota(jnp.int32, (R, IW), 1) + (c0 + k * IW)
        rowoff = lax.broadcasted_iota(jnp.uint32, (R, IW), 0) * jnp.uint32(C)
        bits = _gumbel_bits(rowoff + colg.astype(jnp.uint32))
        u = lax.bitcast_convert_type(
            (bits >> jnp.uint32(9)) | jnp.uint32(0x3F800000), jnp.float32
        ) - jnp.float32(1.0)
        g = -jnp.log(-jnp.log(u + eps) + eps)
        s = logits_ref[:, pl.ds(k * IW, IW)] + g
        s = jnp.where(colg < C, s, neginf)
        sbv = sbv_ref[...]
        upd = s > sbv
        sbv_ref[...] = jnp.where(upd, s, sbv)
        sbi_ref[...] = jnp.where(upd, colg, sbi_ref[...])
        return carry

    lax.fori_loop(0, W // IW, inner, 0)

    @pl.when(pid == NBLK - 1)
    def _():
        fv = sbv_ref[...]
        fi = sbi_ref[...]
        m = jnp.max(fv, axis=1, keepdims=True)
        cand = jnp.where(fv == m, fi, jnp.int32(2**31 - 1))
        ind_ref[...] = jnp.min(cand, axis=1, keepdims=True)


_tc_argmax = pl.pallas_call(
    _argmax_body,
    grid=(NBLK,),
    in_specs=[pl.BlockSpec((R, W), lambda i: (0, i))],
    out_specs=[
        pl.BlockSpec((R, 1), lambda i: (0, 0)),
        pl.BlockSpec((R, W), lambda i: (0, i)),
    ],
    out_shape=[
        jax.ShapeDtypeStruct((R, 1), jnp.int32),
        jax.ShapeDtypeStruct((R, C), jnp.float32),
    ],
    scratch_shapes=[
        pltpu.VMEM((R, IW), jnp.float32),
        pltpu.VMEM((R, IW), jnp.int32),
    ],
)


_NC = 2
_NS = 16
_CLAST = (C // 128) * 128


def _sc_patch_body(ind_hbm, buf, indv, tilebuf, tailbuf):
    pltpu.sync_copy(ind_hbm, indv)
    wid = lax.axis_index("s") * _NC + lax.axis_index("c")
    lanes = lax.iota(jnp.int32, 16)
    ones = jnp.ones((16,), jnp.float32)
    m0 = lanes == 0
    indv_v = indv[...]

    @pl.when(wid < 2)
    def _():
        g = wid
        r0 = pl.multiple_of(g * 8, 8)
        for j in range(8):
            ind_r = jnp.max(jnp.where(lanes == g * 8 + j, indv_v, 0))
            rowv = jnp.full((16,), j, jnp.int32)

            @pl.when(ind_r < _CLAST)
            def _(ind_r=ind_r, rowv=rowv):
                c0 = pl.multiple_of((ind_r // 128) * 128, 128)
                colv = jnp.full((16,), 1, jnp.int32) * (ind_r - c0)
                dst = buf.at[pl.ds(r0, 8), pl.ds(c0, 128)]
                pltpu.sync_copy(dst, tilebuf)
                plsc.store_scatter(tilebuf, [rowv, colv], ones, mask=m0)
                pltpu.sync_copy(tilebuf, dst)

            @pl.when(ind_r >= _CLAST)
            def _(ind_r=ind_r, rowv=rowv):
                colv = jnp.full((16,), 1, jnp.int32) * (ind_r - _CLAST)
                dst = buf.at[pl.ds(r0, 8), pl.ds(_CLAST, C - _CLAST)]
                pltpu.sync_copy(dst, tailbuf)
                plsc.store_scatter(tailbuf, [rowv, colv], ones, mask=m0)
                pltpu.sync_copy(tailbuf, dst)


@functools.cache
def _sc_patch():
    mesh = plsc.VectorSubcoreMesh(core_axis_name="c", subcore_axis_name="s")
    return pl.kernel(
        _sc_patch_body,
        out_type=(),
        mesh=mesh,
        scratch_types=[
            pltpu.VMEM((16,), jnp.int32),
            pltpu.VMEM((8, 128), jnp.float32),
            pltpu.VMEM((8, C - _CLAST), jnp.float32),
        ],
        compiler_params=pltpu.CompilerParams(needs_layout_passes=False),
    )


def kernel(logits, temperature):
    del temperature
    ind, zeroed = _tc_argmax(logits)
    buf = jax.new_ref(zeroed)
    _sc_patch()(ind.reshape(R), buf)
    return jax.freeze(buf)

# --- scband reference (transcript-rebuilt; emitter-appended) ---
"""Pipeline reference for scband-gumbal-softmax-7069516169878 (READ-ONLY COPY).

The authoritative reference and input builder live on the scoring server;
editing this copy changes nothing except your own understanding.
"""

import jax, jax.numpy as jnp
import numpy as np


def setup_inputs(seed: int = 0) -> dict:
    key = jax.random.key(seed)
    logits = jax.random.normal(key, (16, 1000000), dtype=jnp.float32)
    return {"logits": logits, "temperature": 1}


def reference(logits, temperature):
    eps = 1e-20
    # Gumbel noise (deterministic key; torch module uses torch.rand internally)
    U = jax.random.uniform(jax.random.key(42), logits.shape, dtype=logits.dtype)
    gumbel = -jnp.log(-jnp.log(U + eps) + eps)
    y = jax.nn.softmax((logits + gumbel) / temperature, axis=-1)
    ind = jnp.argmax(y, axis=-1)
    # scatter-overwrite to build the one-hot (maps to SparseCore scatter)
    y_hard = jnp.zeros_like(y).at[jnp.arange(y.shape[0]), ind].set(1.0)
    # straight-through estimator
    return jax.lax.stop_gradient(y_hard - y) + y

if __name__ == "__main__":
    import jax
    _d = setup_inputs()
    print(jax.jit(kernel)(*tuple(_d.values())))

</pallas_src>

<mosaic_0001>
#map = affine_map<(d0, d1) -> (0)>
#map1 = affine_map<(d0, d1) -> (0, 0)>
module attributes {stable_mosaic.version = 14 : i64} {
  func.func @new_body(%arg0: i32, %arg1: i32, %arg2: memref<16xi32, #tpu.memory_space<hbm>>, %arg3: memref<16x1000000xf32, #tpu.memory_space<hbm>>, %arg4: memref<16x1000000xf32, #tpu.memory_space<hbm>>, %arg5: memref<16xi32, #tpu.memory_space<vmem>>, %arg6: memref<8x128xf32, #tpu.memory_space<vmem>>, %arg7: memref<8x64xf32, #tpu.memory_space<vmem>>) attributes {dimension_semantics = [#tpu.dimension_semantics<core_parallel>, #tpu.dimension_semantics<subcore_parallel>], iteration_bounds = array<i64: 2, 16>, scalar_prefetch = 0 : i64, scratch_operands = 3 : i64, tpu.core_type = #tpu.core_type<sc_vector_subcore>, window_params = [{transform_indices = #map}, {transform_indices = #map1}, {transform_indices = #map1}]} {
    "tpu.region"() ({
      %run_scoped3A = tpu.sem_alloc : memref<!tpu.dma_semaphore, #tpu.memory_space<semaphore_mem>>
      tpu.enqueue_dma source(%arg2 : memref<16xi32, #tpu.memory_space<hbm>>) target(%arg5 : memref<16xi32, #tpu.memory_space<vmem>>) target_semaphore(%run_scoped3A : memref<!tpu.dma_semaphore, #tpu.memory_space<semaphore_mem>>)
      tpu.wait_dma2 semaphore(%run_scoped3A : memref<!tpu.dma_semaphore, #tpu.memory_space<semaphore_mem>>) src(%arg2 : memref<16xi32, #tpu.memory_space<hbm>>) dst(%arg5 : memref<16xi32, #tpu.memory_space<vmem>>)
      tpu.yield
    }) : () -> ()
    %mul3A = arith.constant 2 : i32
    %mul3A_0 = arith.muli %arg1, %mul3A : i32
    %add3A = arith.addi %mul3A_0, %arg0 : i32
    %iota3A = tpu.iota {dimensions = array<i32: 0>} : vector<16xi32>
    %broadcast_in_dim3A = arith.constant 1.000000e+00 : f32
    %broadcast_in_dim3A_1 = vector.broadcast %broadcast_in_dim3A : f32 to vector<16xf32>
    %eq3A = arith.constant 0 : i32
    %eq3A_2 = vector.broadcast %eq3A : i32 to vector<16xi32>
    %eq3A_3 = arith.cmpi eq, %iota3A, %eq3A_2 : vector<16xi32>
    %get3A = arith.constant 0 : index
    %get3A_4 = tpu.vector_load %arg5[%get3A] {strides = array<i32>} : memref<16xi32, #tpu.memory_space<vmem>>, vector<16xi32>,
    %lt3A = arith.constant 2 : i32
    %lt3A_5 = arith.cmpi slt, %add3A, %lt3A : i32
    %convert_element_type3A = arith.extui %lt3A_5 : i1 to i32
    %cond3A = arith.constant 0 : i32
    %cond3A_6 = arith.cmpi ne, %convert_element_type3A, %cond3A : i32
    scf.if %cond3A_6 {
      %mul3A_7 = arith.constant 8 : i32
      %mul3A_8 = arith.muli %add3A, %mul3A_7 : i32
      %multiple_of3A = tpu.assume_multiple %mul3A_8, 8 : i32
      %mul3A_9 = arith.constant 8 : i32
      %mul3A_10 = arith.muli %add3A, %mul3A_9 : i32
      %add3A_11 = arith.constant 0 : i32
      %add3A_12 = arith.addi %mul3A_10, %add3A_11 : i32
      %eq3A_13 = vector.broadcast %add3A_12 : i32 to vector<16xi32>
      %eq3A_14 = arith.cmpi eq, %iota3A, %eq3A_13 : vector<16xi32>
      %jit3A = arith.constant 0 : i32
      %broadcast_in_dim3A_15 = vector.broadcast %jit3A : i32 to vector<16xi32>
      %select_n3A = arith.select %eq3A_14, %get3A_4, %broadcast_in_dim3A_15 : vector<16xi1>, vector<16xi32>
      %reduce_max3A = arith.constant true
      %reduce_max3A_16 = vector.broadcast %reduce_max3A : i1 to vector<16xi1>
      %reduce_max3A_17 = arith.constant -2147483648 : i32
      %reduce_max3A_18 = vector.broadcast %reduce_max3A_17 : i32 to vector<16xi32>
      %reduce_max3A_19 = arith.xori %select_n3A, %reduce_max3A_18 : vector<16xi32>
      %reduce_max3A_20 = tpu.scan <max>, %reduce_max3A_19 masked %reduce_max3A_16 : vector<16xi32>, vector<16xi1> -> vector<16xi32>
      %reduce_max3A_21 = arith.xori %reduce_max3A_20, %reduce_max3A_18 : vector<16xi32>
      %reduce_max3A_22 = vector.extract %reduce_max3A_21[15] : i32 from vector<16xi32>
      %broadcast_in_dim3A_23 = arith.constant 0 : i32
      %broadcast_in_dim3A_24 = vector.broadcast %broadcast_in_dim3A_23 : i32 to vector<16xi32>
      %lt3A_25 = arith.constant 999936 : i32
      %lt3A_26 = arith.cmpi slt, %reduce_max3A_22, %lt3A_25 : i32
      %convert_element_type3A_27 = arith.extui %lt3A_26 : i1 to i32
      %cond3A_28 = arith.constant 0 : i32
      %cond3A_29 = arith.cmpi ne, %convert_element_type3A_27, %cond3A_28 : i32
      scf.if %cond3A_29 {
        %jit3A_237 = arith.constant 128 : i32
        %div3A = arith.divsi %reduce_max3A_22, %jit3A_237 : i32
        %sign3A = arith.constant 0 : i32
        %sign3A_238 = arith.cmpi sgt, %reduce_max3A_22, %sign3A : i32
        %sign3A_239 = arith.extui %sign3A_238 : i1 to i32
        %sign3A_240 = arith.constant 0 : i32
        %sign3A_241 = arith.cmpi slt, %reduce_max3A_22, %sign3A_240 : i32
        %sign3A_242 = arith.extui %sign3A_241 : i1 to i32
        %sign3A_243 = arith.subi %sign3A_239, %sign3A_242 : i32
        %sign3A_244 = arith.constant 0 : i32
        %sign3A_245 = arith.cmpi sgt, %jit3A_237, %sign3A_244 : i32
        %sign3A_246 = arith.extui %sign3A_245 : i1 to i32
        %sign3A_247 = arith.constant 0 : i32
        %sign3A_248 = arith.cmpi slt, %jit3A_237, %sign3A_247 : i32
        %sign3A_249 = arith.extui %sign3A_248 : i1 to i32
        %sign3A_250 = arith.subi %sign3A_246, %sign3A_249 : i32
        %ne3A = arith.cmpi ne, %sign3A_243, %sign3A_250 : i32
        %rem3A = arith.remsi %reduce_max3A_22, %jit3A_237 : i32
        %ne3A_251 = arith.constant 0 : i32
        %ne3A_252 = arith.cmpi ne, %rem3A, %ne3A_251 : i32
        %and3A = arith.andi %ne3A, %ne3A_252 : i1
        %sub3A = arith.constant 1 : i32
        %sub3A_253 = arith.subi %div3A, %sub3A : i32
        %select_n3A_254 = arith.select %and3A, %sub3A_253, %div3A : i32
        %mul3A_255 = arith.constant 128 : i32
        %mul3A_256 = arith.muli %select_n3A_254, %mul3A_255 : i32
        %multiple_of3A_257 = tpu.assume_multiple %mul3A_256, 128 : i32
        %broadcast_in_dim3A_258 = arith.constant 1 : i32
        %broadcast_in_dim3A_259 = vector.broadcast %broadcast_in_dim3A_258 : i32 to vector<16xi32>
        %sub3A_260 = arith.subi %reduce_max3A_22, %multiple_of3A_257 : i32
        %mul3A_261 = vector.broadcast %sub3A_260 : i32 to vector<16xi32>
        %mul3A_262 = arith.muli %broadcast_in_dim3A_259, %mul3A_261 : vector<16xi32>
        "tpu.region"() ({
          %run_scoped3A = tpu.sem_alloc : memref<!tpu.dma_semaphore, #tpu.memory_space<semaphore_mem>>
          %dma_start3A = tpu.memref_slice %arg3[%multiple_of3A, %multiple_of3A_257] : memref<16x1000000xf32, #tpu.memory_space<hbm>> -> memref<8x128xf32, #tpu.memory_space<hbm>>
          %dma_start3A_263 = tpu.memref_slice %arg3[%multiple_of3A, %multiple_of3A_257] : memref<16x1000000xf32, #tpu.memory_space<hbm>> -> memref<8x128xf32, #tpu.memory_space<hbm>>
          tpu.enqueue_dma source(%dma_start3A_263 : memref<8x128xf32, #tpu.memory_space<hbm>>) target(%arg6 : memref<8x128xf32, #tpu.memory_space<vmem>>) target_semaphore(%run_scoped3A : memref<!tpu.dma_semaphore, #tpu.memory_space<semaphore_mem>>)
          %dma_wait3A = tpu.memref_slice %arg3[%multiple_of3A, %multiple_of3A_257] : memref<16x1000000xf32, #tpu.memory_space<hbm>> -> memref<8x128xf32, #tpu.memory_space<hbm>>
          %dma_wait3A_264 = tpu.memref_slice %arg3[%multiple_of3A, %multiple_of3A_257] : memref<16x1000000xf32, #tpu.memory_space<hbm>> -> memref<8x128xf32, #tpu.memory_space<hbm>>
          tpu.wait_dma2 semaphore(%run_scoped3A : memref<!tpu.dma_semaphore, #tpu.memory_space<semaphore_mem>>) src(%dma_wait3A_264 : memref<8x128xf32, #tpu.memory_space<hbm>>) dst(%arg6 : memref<8x128xf32, #tpu.memory_space<vmem>>)
          tpu.yield
        }) : () -> ()
        tpu.vector_store_idx %arg6[%broadcast_in_dim3A_24, %mul3A_262], %broadcast_in_dim3A_1 masked %eq3A_3 : memref<8x128xf32, #tpu.memory_space<vmem>>[vector<16xi32>, vector<16xi32>], vector<16xf32>, vector<16xi1>
        "tpu.region"() ({
          %run_scoped3A = tpu.sem_alloc : memref<!tpu.dma_semaphore, #tpu.memory_space<semaphore_mem>>
          %dma_start3A = tpu.memref_slice %arg3[%multiple_of3A, %multiple_of3A_257] : memref<16x1000000xf32, #tpu.memory_space<hbm>> -> memref<8x128xf32, #tpu.memory_space<hbm>>
          %dma_start3A_263 = tpu.memref_slice %arg3[%multiple_of3A, %multiple_of3A_257] : memref<16x1000000xf32, #tpu.memory_space<hbm>> -> memref<8x128xf32, #tpu.memory_space<hbm>>
          tpu.enqueue_dma source(%arg6 : memref<8x128xf32, #tpu.memory_space<vmem>>) target(%dma_start3A_263 : memref<8x128xf32, #tpu.memory_space<hbm>>) target_semaphore(%run_scoped3A : memref<!tpu.dma_semaphore, #tpu.memory_space<semaphore_mem>>)
          %dma_wait3A = tpu.memref_slice %arg3[%multiple_of3A, %multiple_of3A_257] : memref<16x1000000xf32, #tpu.memory_space<hbm>> -> memref<8x128xf32, #tpu.memory_space<hbm>>
          %dma_wait3A_264 = tpu.memref_slice %arg3[%multiple_of3A, %multiple_of3A_257] : memref<16x1000000xf32, #tpu.memory_space<hbm>> -> memref<8x128xf32, #tpu.memory_space<hbm>>
          tpu.wait_dma2 semaphore(%run_scoped3A : memref<!tpu.dma_semaphore, #tpu.memory_space<semaphore_mem>>) src(%arg6 : memref<8x128xf32, #tpu.memory_space<vmem>>) dst(%dma_wait3A_264 : memref<8x128xf32, #tpu.memory_space<hbm>>)
          tpu.yield
        }) : () -> ()
      } else {
      }
      %ge3A = arith.constant 999936 : i32
      %ge3A_30 = arith.cmpi sge, %reduce_max3A_22, %ge3A : i32
      %convert_element_type3A_31 = arith.extui %ge3A_30 : i1 to i32
      %cond3A_32 = arith.constant 0 : i32
      %cond3A_33 = arith.cmpi ne, %convert_element_type3A_31, %cond3A_32 : i32
      scf.if %cond3A_33 {
        %broadcast_in_dim3A_237 = arith.constant 1 : i32
        %broadcast_in_dim3A_238 = vector.broadcast %broadcast_in_dim3A_237 : i32 to vector<16xi32>
        %sub3A = arith.constant 999936 : i32
        %sub3A_239 = arith.subi %reduce_max3A_22, %sub3A : i32
        %mul3A_240 = vector.broadcast %sub3A_239 : i32 to vector<16xi32>
        %mul3A_241 = arith.muli %broadcast_in_dim3A_238, %mul3A_240 : vector<16xi32>
        "tpu.region"() ({
          %run_scoped3A = tpu.sem_alloc : memref<!tpu.dma_semaphore, #tpu.memory_space<semaphore_mem>>
          %dma_start3A = arith.constant 999936 : i32
          %dma_start3A_242 = tpu.memref_slice %arg3[%multiple_of3A, %dma_start3A] : memref<16x1000000xf32, #tpu.memory_space<hbm>> -> memref<8x64xf32, #tpu.memory_space<hbm>>
          %dma_start3A_243 = arith.constant 999936 : i32
          %dma_start3A_244 = tpu.memref_slice %arg3[%multiple_of3A, %dma_start3A_243] : memref<16x1000000xf32, #tpu.memory_space<hbm>> -> memref<8x64xf32, #tpu.memory_space<hbm>>
          tpu.enqueue_dma source(%dma_start3A_244 : memref<8x64xf32, #tpu.memory_space<hbm>>) target(%arg7 : memref<8x64xf32, #tpu.memory_space<vmem>>) target_semaphore(%run_scoped3A : memref<!tpu.dma_semaphore, #tpu.memory_space<semaphore_mem>>)
          %dma_wait3A = arith.constant 999936 : i32
          %dma_wait3A_245 = tpu.memref_slice %arg3[%multiple_of3A, %dma_wait3A] : memref<16x1000000xf32, #tpu.memory_space<hbm>> -> memref<8x64xf32, #tpu.memory_space<hbm>>
          %dma_wait3A_246 = arith.constant 999936 : i32
          %dma_wait3A_247 = tpu.memref_slice %arg3[%multiple_of3A, %dma_wait3A_246] : memref<16x1000000xf32, #tpu.memory_space<hbm>> -> memref<8x64xf32, #tpu.memory_space<hbm>>
          tpu.wait_dma2 semaphore(%run_scoped3A : memref<!tpu.dma_semaphore, #tpu.memory_space<semaphore_mem>>) src(%dma_wait3A_247 : memref<8x64xf32, #tpu.memory_space<hbm>>) dst(%arg7 : memref<8x64xf32, #tpu.memory_space<vmem>>)
          tpu.yield
        }) : () -> ()
        tpu.vector_store_idx %arg7[%broadcast_in_dim3A_24, %mul3A_241], %broadcast_in_dim3A_1 masked %eq3A_3 : memref<8x64xf32, #tpu.memory_space<vmem>>[vector<16xi32>, vector<16xi32>], vector<16xf32>, vector<16xi1>
        "tpu.region"() ({
          %run_scoped3A = tpu.sem_alloc : memref<!tpu.dma_semaphore, #tpu.memory_space<semaphore_mem>>
          %dma_start3A = arith.constant 999936 : i32
          %dma_start3A_242 = tpu.memref_slice %arg3[%multiple_of3A, %dma_start3A] : memref<16x1000000xf32, #tpu.memory_space<hbm>> -> memref<8x64xf32, #tpu.memory_space<hbm>>
          %dma_start3A_243 = arith.constant 999936 : i32
          %dma_start3A_244 = tpu.memref_slice %arg3[%multiple_of3A, %dma_start3A_243] : memref<16x1000000xf32, #tpu.memory_space<hbm>> -> memref<8x64xf32, #tpu.memory_space<hbm>>
          tpu.enqueue_dma source(%arg7 : memref<8x64xf32, #tpu.memory_space<vmem>>) target(%dma_start3A_244 : memref<8x64xf32, #tpu.memory_space<hbm>>) target_semaphore(%run_scoped3A : memref<!tpu.dma_semaphore, #tpu.memory_space<semaphore_mem>>)
          %dma_wait3A = arith.constant 999936 : i32
          %dma_wait3A_245 = tpu.memref_slice %arg3[%multiple_of3A, %dma_wait3A] : memref<16x1000000xf32, #tpu.memory_space<hbm>> -> memref<8x64xf32, #tpu.memory_space<hbm>>
          %dma_wait3A_246 = arith.constant 999936 : i32
          %dma_wait3A_247 = tpu.memref_slice %arg3[%multiple_of3A, %dma_wait3A_246] : memref<16x1000000xf32, #tpu.memory_space<hbm>> -> memref<8x64xf32, #tpu.memory_space<hbm>>
          tpu.wait_dma2 semaphore(%run_scoped3A : memref<!tpu.dma_semaphore, #tpu.memory_space<semaphore_mem>>) src(%arg7 : memref<8x64xf32, #tpu.memory_space<vmem>>) dst(%dma_wait3A_247 : memref<8x64xf32, #tpu.memory_space<hbm>>)
          tpu.yield
        }) : () -> ()
      } else {
      }
      %mul3A_34 = arith.constant 8 : i32
      %mul3A_35 = arith.muli %add3A, %mul3A_34 : i32
      %add3A_36 = arith.constant 1 : i32
      %add3A_37 = arith.addi %mul3A_35, %add3A_36 : i32
      %eq3A_38 = vector.broadcast %add3A_37 : i32 to vector<16xi32>
      %eq3A_39 = arith.cmpi eq, %iota3A, %eq3A_38 : vector<16xi32>
      %jit3A_40 = arith.constant 0 : i32
      %broadcast_in_dim3A_41 = vector.broadcast %jit3A_40 : i32 to vector<16xi32>
      %select_n3A_42 = arith.select %eq3A_39, %get3A_4, %broadcast_in_dim3A_41 : vector<16xi1>, vector<16xi32>
      %reduce_max3A_43 = arith.constant true
      %reduce_max3A_44 = vector.broadcast %reduce_max3A_43 : i1 to vector<16xi1>
      %reduce_max3A_45 = arith.constant -2147483648 : i32
      %reduce_max3A_46 = vector.broadcast %reduce_max3A_45 : i32 to vector<16xi32>
      %reduce_max3A_47 = arith.xori %select_n3A_42, %reduce_max3A_46 : vector<16xi32>
      %reduce_max3A_48 = tpu.scan <max>, %reduce_max3A_47 masked %reduce_max3A_44 : vector<16xi32>, vector<16xi1> -> vector<16xi32>
      %reduce_max3A_49 = arith.xori %reduce_max3A_48, %reduce_max3A_46 : vector<16xi32>
      %reduce_max3A_50 = vector.extract %reduce_max3A_49[15] : i32 from vector<16xi32>
      %broadcast_in_dim3A_51 = arith.constant 1 : i32
      %broadcast_in_dim3A_52 = vector.broadcast %broadcast_in_dim3A_51 : i32 to vector<16xi32>
      %lt3A_53 = arith.constant 999936 : i32
      %lt3A_54 = arith.cmpi slt, %reduce_max3A_50, %lt3A_53 : i32
      %convert_element_type3A_55 = arith.extui %lt3A_54 : i1 to i32
      %cond3A_56 = arith.constant 0 : i32
      %cond3A_57 = arith.cmpi ne, %convert_element_type3A_55, %cond3A_56 : i32
      scf.if %cond3A_57 {
        %jit3A_237 = arith.constant 128 : i32
        %div3A = arith.divsi %reduce_max3A_50, %jit3A_237 : i32
        %sign3A = arith.constant 0 : i32
        %sign3A_238 = arith.cmpi sgt, %reduce_max3A_50, %sign3A : i32
        %sign3A_239 = arith.extui %sign3A_238 : i1 to i32
        %sign3A_240 = arith.constant 0 : i32
        %sign3A_241 = arith.cmpi slt, %reduce_max3A_50, %sign3A_240 : i32
        %sign3A_242 = arith.extui %sign3A_241 : i1 to i32
        %sign3A_243 = arith.subi %sign3A_239, %sign3A_242 : i32
        %sign3A_244 = arith.constant 0 : i32
        %sign3A_245 = arith.cmpi sgt, %jit3A_237, %sign3A_244 : i32
        %sign3A_246 = arith.extui %sign3A_245 : i1 to i32
        %sign3A_247 = arith.constant 0 : i32
        %sign3A_248 = arith.cmpi slt, %jit3A_237, %sign3A_247 : i32
        %sign3A_249 = arith.extui %sign3A_248 : i1 to i32
        %sign3A_250 = arith.subi %sign3A_246, %sign3A_249 : i32
        %ne3A = arith.cmpi ne, %sign3A_243, %sign3A_250 : i32
        %rem3A = arith.remsi %reduce_max3A_50, %jit3A_237 : i32
        %ne3A_251 = arith.constant 0 : i32
        %ne3A_252 = arith.cmpi ne, %rem3A, %ne3A_251 : i32
        %and3A = arith.andi %ne3A, %ne3A_252 : i1
        %sub3A = arith.constant 1 : i32
        %sub3A_253 = arith.subi %div3A, %sub3A : i32
        %select_n3A_254 = arith.select %and3A, %sub3A_253, %div3A : i32
        %mul3A_255 = arith.constant 128 : i32
        %mul3A_256 = arith.muli %select_n3A_254, %mul3A_255 : i32
        %multiple_of3A_257 = tpu.assume_multiple %mul3A_256, 128 : i32
        %broadcast_in_dim3A_258 = arith.constant 1 : i32
        %broadcast_in_dim3A_259 = vector.broadcast %broadcast_in_dim3A_258 : i32 to vector<16xi32>
        %sub3A_260 = arith.subi %reduce_max3A_50, %multiple_of3A_257 : i32
        %mul3A_261 = vector.broadcast %sub3A_260 : i32 to vector<16xi32>
        %mul3A_262 = arith.muli %broadcast_in_dim3A_259, %mul3A_261 : vector<16xi32>
        "tpu.region"() ({
          %run_scoped3A = tpu.sem_alloc : memref<!tpu.dma_semaphore, #tpu.memory_space<semaphore_mem>>
          %dma_start3A = tpu.memref_slice %arg3[%multiple_of3A, %multiple_of3A_257] : memref<16x1000000xf32, #tpu.memory_space<hbm>> -> memref<8x128xf32, #tpu.memory_space<hbm>>
          %dma_start3A_263 = tpu.memref_slice %arg3[%multiple_of3A, %multiple_of3A_257] : memref<16x1000000xf32, #tpu.memory_space<hbm>> -> memref<8x128xf32, #tpu.memory_space<hbm>>
          tpu.enqueue_dma source(%dma_start3A_263 : memref<8x128xf32, #tpu.memory_space<hbm>>) target(%arg6 : memref<8x128xf32, #tpu.memory_space<vmem>>) target_semaphore(%run_scoped3A : memref<!tpu.dma_semaphore, #tpu.memory_space<semaphore_mem>>)
          %dma_wait3A = tpu.memref_slice %arg3[%multiple_of3A, %multiple_of3A_257] : memref<16x1000000xf32, #tpu.memory_space<hbm>> -> memref<8x128xf32, #tpu.memory_space<hbm>>
          %dma_wait3A_264 = tpu.memref_slice %arg3[%multiple_of3A, %multiple_of3A_257] : memref<16x1000000xf32, #tpu.memory_space<hbm>> -> memref<8x128xf32, #tpu.memory_space<hbm>>
          tpu.wait_dma2 semaphore(%run_scoped3A : memref<!tpu.dma_semaphore, #tpu.memory_space<semaphore_mem>>) src(%dma_wait3A_264 : memref<8x128xf32, #tpu.memory_space<hbm>>) dst(%arg6 : memref<8x128xf32, #tpu.memory_space<vmem>>)
          tpu.yield
        }) : () -> ()
        tpu.vector_store_idx %arg6[%broadcast_in_dim3A_52, %mul3A_262], %broadcast_in_dim3A_1 masked %eq3A_3 : memref<8x128xf32, #tpu.memory_space<vmem>>[vector<16xi32>, vector<16xi32>], vector<16xf32>, vector<16xi1>
        "tpu.region"() ({
          %run_scoped3A = tpu.sem_alloc : memref<!tpu.dma_semaphore, #tpu.memory_space<semaphore_mem>>
          %dma_start3A = tpu.memref_slice %arg3[%multiple_of3A, %multiple_of3A_257] : memref<16x1000000xf32, #tpu.memory_space<hbm>> -> memref<8x128xf32, #tpu.memory_space<hbm>>
          %dma_start3A_263 = tpu.memref_slice %arg3[%multiple_of3A, %multiple_of3A_257] : memref<16x1000000xf32, #tpu.memory_space<hbm>> -> memref<8x128xf32, #tpu.memory_space<hbm>>
          tpu.enqueue_dma source(%arg6 : memref<8x128xf32, #tpu.memory_space<vmem>>) target(%dma_start3A_263 : memref<8x128xf32, #tpu.memory_space<hbm>>) target_semaphore(%run_scoped3A : memref<!tpu.dma_semaphore, #tpu.memory_space<semaphore_mem>>)
          %dma_wait3A = tpu.memref_slice %arg3[%multiple_of3A, %multiple_of3A_257] : memref<16x1000000xf32, #tpu.memory_space<hbm>> -> memref<8x128xf32, #tpu.memory_space<hbm>>
          %dma_wait3A_264 = tpu.memref_slice %arg3[%multiple_of3A, %multiple_of3A_257] : memref<16x1000000xf32, #tpu.memory_space<hbm>> -> memref<8x128xf32, #tpu.memory_space<hbm>>
          tpu.wait_dma2 semaphore(%run_scoped3A : memref<!tpu.dma_semaphore, #tpu.memory_space<semaphore_mem>>) src(%arg6 : memref<8x128xf32, #tpu.memory_space<vmem>>) dst(%dma_wait3A_264 : memref<8x128xf32, #tpu.memory_space<hbm>>)
          tpu.yield
        }) : () -> ()
      } else {
      }
      %ge3A_58 = arith.constant 999936 : i32
      %ge3A_59 = arith.cmpi sge, %reduce_max3A_50, %ge3A_58 : i32
      %convert_element_type3A_60 = arith.extui %ge3A_59 : i1 to i32
      %cond3A_61 = arith.constant 0 : i32
      %cond3A_62 = arith.cmpi ne, %convert_element_type3A_60, %cond3A_61 : i32
      scf.if %cond3A_62 {
        %broadcast_in_dim3A_237 = arith.constant 1 : i32
        %broadcast_in_dim3A_238 = vector.broadcast %broadcast_in_dim3A_237 : i32 to vector<16xi32>
        %sub3A = arith.constant 999936 : i32
        %sub3A_239 = arith.subi %reduce_max3A_50, %sub3A : i32
        %mul3A_240 = vector.broadcast %sub3A_239 : i32 to vector<16xi32>
        %mul3A_241 = arith.muli %broadcast_in_dim3A_238, %mul3A_240 : vector<16xi32>
        "tpu.region"() ({
          %run_scoped3A = tpu.sem_alloc : memref<!tpu.dma_semaphore, #tpu.memory_space<semaphore_mem>>
          %dma_start3A = arith.constant 999936 : i32
          %dma_start3A_242 = tpu.memref_slice %arg3[%multiple_of3A, %dma_start3A] : memref<16x1000000xf32, #tpu.memory_space<hbm>> -> memref<8x64xf32, #tpu.memory_space<hbm>>
          %dma_start3A_243 = arith.constant 999936 : i32
          %dma_start3A_244 = tpu.memref_slice %arg3[%multiple_of3A, %dma_start3A_243] : memref<16x1000000xf32, #tpu.memory_space<hbm>> -> memref<8x64xf32, #tpu.memory_space<hbm>>
          tpu.enqueue_dma source(%dma_start3A_244 : memref<8x64xf32, #tpu.memory_space<hbm>>) target(%arg7 : memref<8x64xf32, #tpu.memory_space<vmem>>) target_semaphore(%run_scoped3A : memref<!tpu.dma_semaphore, #tpu.memory_space<semaphore_mem>>)
          %dma_wait3A = arith.constant 999936 : i32
          %dma_wait3A_245 = tpu.memref_slice %arg3[%multiple_of3A, %dma_wait3A] : memref<16x1000000xf32, #tpu.memory_space<hbm>> -> memref<8x64xf32, #tpu.memory_space<hbm>>
          %dma_wait3A_246 = arith.constant 999936 : i32
          %dma_wait3A_247 = tpu.memref_slice %arg3[%multiple_of3A, %dma_wait3A_246] : memref<16x1000000xf32, #tpu.memory_space<hbm>> -> memref<8x64xf32, #tpu.memory_space<hbm>>
          tpu.wait_dma2 semaphore(%run_scoped3A : memref<!tpu.dma_semaphore, #tpu.memory_space<semaphore_mem>>) src(%dma_wait3A_247 : memref<8x64xf32, #tpu.memory_space<hbm>>) dst(%arg7 : memref<8x64xf32, #tpu.memory_space<vmem>>)
          tpu.yield
        }) : () -> ()
        tpu.vector_store_idx %arg7[%broadcast_in_dim3A_52, %mul3A_241], %broadcast_in_dim3A_1 masked %eq3A_3 : memref<8x64xf32, #tpu.memory_space<vmem>>[vector<16xi32>, vector<16xi32>], vector<16xf32>, vector<16xi1>
        "tpu.region"() ({
          %run_scoped3A = tpu.sem_alloc : memref<!tpu.dma_semaphore, #tpu.memory_space<semaphore_mem>>
          %dma_start3A = arith.constant 999936 : i32
          %dma_start3A_242 = tpu.memref_slice %arg3[%multiple_of3A, %dma_start3A] : memref<16x1000000xf32, #tpu.memory_space<hbm>> -> memref<8x64xf32, #tpu.memory_space<hbm>>
          %dma_start3A_243 = arith.constant 999936 : i32
          %dma_start3A_244 = tpu.memref_slice %arg3[%multiple_of3A, %dma_start3A_243] : memref<16x1000000xf32, #tpu.memory_space<hbm>> -> memref<8x64xf32, #tpu.memory_space<hbm>>
          tpu.enqueue_dma source(%arg7 : memref<8x64xf32, #tpu.memory_space<vmem>>) target(%dma_start3A_244 : memref<8x64xf32, #tpu.memory_space<hbm>>) target_semaphore(%run_scoped3A : memref<!tpu.dma_semaphore, #tpu.memory_space<semaphore_mem>>)
          %dma_wait3A = arith.constant 999936 : i32
          %dma_wait3A_245 = tpu.memref_slice %arg3[%multiple_of3A, %dma_wait3A] : memref<16x1000000xf32, #tpu.memory_space<hbm>> -> memref<8x64xf32, #tpu.memory_space<hbm>>
          %dma_wait3A_246 = arith.constant 999936 : i32
          %dma_wait3A_247 = tpu.memref_slice %arg3[%multiple_of3A, %dma_wait3A_246] : memref<16x1000000xf32, #tpu.memory_space<hbm>> -> memref<8x64xf32, #tpu.memory_space<hbm>>
          tpu.wait_dma2 semaphore(%run_scoped3A : memref<!tpu.dma_semaphore, #tpu.memory_space<semaphore_mem>>) src(%arg7 : memref<8x64xf32, #tpu.memory_space<vmem>>) dst(%dma_wait3A_247 : memref<8x64xf32, #tpu.memory_space<hbm>>)
          tpu.yield
        }) : () -> ()
      } else {
      }
      %mul3A_63 = arith.constant 8 : i32
      %mul3A_64 = arith.muli %add3A, %mul3A_63 : i32
      %add3A_65 = arith.constant 2 : i32
      %add3A_66 = arith.addi %mul3A_64, %add3A_65 : i32
      %eq3A_67 = vector.broadcast %add3A_66 : i32 to vector<16xi32>
      %eq3A_68 = arith.cmpi eq, %iota3A, %eq3A_67 : vector<16xi32>
      %jit3A_69 = arith.constant 0 : i32
      %broadcast_in_dim3A_70 = vector.broadcast %jit3A_69 : i32 to vector<16xi32>
      %select_n3A_71 = arith.select %eq3A_68, %get3A_4, %broadcast_in_dim3A_70 : vector<16xi1>, vector<16xi32>
      %reduce_max3A_72 = arith.constant true
      %reduce_max3A_73 = vector.broadcast %reduce_max3A_72 : i1 to vector<16xi1>
      %reduce_max3A_74 = arith.constant -2147483648 : i32
      %reduce_max3A_75 = vector.broadcast %reduce_max3A_74 : i32 to vector<16xi32>
      %reduce_max3A_76 = arith.xori %select_n3A_71, %reduce_max3A_75 : vector<16xi32>
      %reduce_max3A_77 = tpu.scan <max>, %reduce_max3A_76 masked %reduce_max3A_73 : vector<16xi32>, vector<16xi1> -> vector<16xi32>
      %reduce_max3A_78 = arith.xori %reduce_max3A_77, %reduce_max3A_75 : vector<16xi32>
      %reduce_max3A_79 = vector.extract %reduce_max3A_78[15] : i32 from vector<16xi32>
      %broadcast_in_dim3A_80 = arith.constant 2 : i32
      %broadcast_in_dim3A_81 = vector.broadcast %broadcast_in_dim3A_80 : i32 to vector<16xi32>
      %lt3A_82 = arith.constant 999936 : i32
      %lt3A_83 = arith.cmpi slt, %reduce_max3A_79, %lt3A_82 : i32
      %convert_element_type3A_84 = arith.extui %lt3A_83 : i1 to i32
      %cond3A_85 = arith.constant 0 : i32
      %cond3A_86 = arith.cmpi ne, %convert_element_type3A_84, %cond3A_85 : i32
      scf.if %cond3A_86 {
        %jit3A_237 = arith.constant 128 : i32
        %div3A = arith.divsi %reduce_max3A_79, %jit3A_237 : i32
        %sign3A = arith.constant 0 : i32
        %sign3A_238 = arith.cmpi sgt, %reduce_max3A_79, %sign3A : i32
        %sign3A_239 = arith.extui %sign3A_238 : i1 to i32
        %sign3A_240 = arith.constant 0 : i32
        %sign3A_241 = arith.cmpi slt, %reduce_max3A_79, %sign3A_240 : i32
        %sign3A_242 = arith.extui %sign3A_241 : i1 to i32
        %sign3A_243 = arith.subi %sign3A_239, %sign3A_242 : i32
        %sign3A_244 = arith.constant 0 : i32
        %sign3A_245 = arith.cmpi sgt, %jit3A_237, %sign3A_244 : i32
        %sign3A_246 = arith.extui %sign3A_245 : i1 to i32
        %sign3A_247 = arith.constant 0 : i32
        %sign3A_248 = arith.cmpi slt, %jit3A_237, %sign3A_247 : i32
        %sign3A_249 = arith.extui %sign3A_248 : i1 to i32
        %sign3A_250 = arith.subi %sign3A_246, %sign3A_249 : i32
        %ne3A = arith.cmpi ne, %sign3A_243, %sign3A_250 : i32
        %rem3A = arith.remsi %reduce_max3A_79, %jit3A_237 : i32
        %ne3A_251 = arith.constant 0 : i32
        %ne3A_252 = arith.cmpi ne, %rem3A, %ne3A_251 : i32
        %and3A = arith.andi %ne3A, %ne3A_252 : i1
        %sub3A = arith.constant 1 : i32
        %sub3A_253 = arith.subi %div3A, %sub3A : i32
        %select_n3A_254 = arith.select %and3A, %sub3A_253, %div3A : i32
        %mul3A_255 = arith.constant 128 : i32
        %mul3A_256 = arith.muli %select_n3A_254, %mul3A_255 : i32
        %multiple_of3A_257 = tpu.assume_multiple %mul3A_256, 128 : i32
        %broadcast_in_dim3A_258 = arith.constant 1 : i32
        %broadcast_in_dim3A_259 = vector.broadcast %broadcast_in_dim3A_258 : i32 to vector<16xi32>
        %sub3A_260 = arith.subi %reduce_max3A_79, %multiple_of3A_257 : i32
        %mul3A_261 = vector.broadcast %sub3A_260 : i32 to vector<16xi32>
        %mul3A_262 = arith.muli %broadcast_in_dim3A_259, %mul3A_261 : vector<16xi32>
        "tpu.region"() ({
          %run_scoped3A = tpu.sem_alloc : memref<!tpu.dma_semaphore, #tpu.memory_space<semaphore_mem>>
          %dma_start3A = tpu.memref_slice %arg3[%multiple_of3A, %multiple_of3A_257] : memref<16x1000000xf32, #tpu.memory_space<hbm>> -> memref<8x128xf32, #tpu.memory_space<hbm>>
          %dma_start3A_263 = tpu.memref_slice %arg3[%multiple_of3A, %multiple_of3A_257] : memref<16x1000000xf32, #tpu.memory_space<hbm>> -> memref<8x128xf32, #tpu.memory_space<hbm>>
          tpu.enqueue_dma source(%dma_start3A_263 : memref<8x128xf32, #tpu.memory_space<hbm>>) target(%arg6 : memref<8x128xf32, #tpu.memory_space<vmem>>) target_semaphore(%run_scoped3A : memref<!tpu.dma_semaphore, #tpu.memory_space<semaphore_mem>>)
          %dma_wait3A = tpu.memref_slice %arg3[%multiple_of3A, %multiple_of3A_257] : memref<16x1000000xf32, #tpu.memory_space<hbm>> -> memref<8x128xf32, #tpu.memory_space<hbm>>
          %dma_wait3A_264 = tpu.memref_slice %arg3[%multiple_of3A, %multiple_of3A_257] : memref<16x1000000xf32, #tpu.memory_space<hbm>> -> memref<8x128xf32, #tpu.memory_space<hbm>>
          tpu.wait_dma2 semaphore(%run_scoped3A : memref<!tpu.dma_semaphore, #tpu.memory_space<semaphore_mem>>) src(%dma_wait3A_264 : memref<8x128xf32, #tpu.memory_space<hbm>>) dst(%arg6 : memref<8x128xf32, #tpu.memory_space<vmem>>)
          tpu.yield
        }) : () -> ()
        tpu.vector_store_idx %arg6[%broadcast_in_dim3A_81, %mul3A_262], %broadcast_in_dim3A_1 masked %eq3A_3 : memref<8x128xf32, #tpu.memory_space<vmem>>[vector<16xi32>, vector<16xi32>], vector<16xf32>, vector<16xi1>
        "tpu.region"() ({
          %run_scoped3A = tpu.sem_alloc : memref<!tpu.dma_semaphore, #tpu.memory_space<semaphore_mem>>
          %dma_start3A = tpu.memref_slice %arg3[%multiple_of3A, %multiple_of3A_257] : memref<16x1000000xf32, #tpu.memory_space<hbm>> -> memref<8x128xf32, #tpu.memory_space<hbm>>
          %dma_start3A_263 = tpu.memref_slice %arg3[%multiple_of3A, %multiple_of3A_257] : memref<16x1000000xf32, #tpu.memory_space<hbm>> -> memref<8x128xf32, #tpu.memory_space<hbm>>
          tpu.enqueue_dma source(%arg6 : memref<8x128xf32, #tpu.memory_space<vmem>>) target(%dma_start3A_263 : memref<8x128xf32, #tpu.memory_space<hbm>>) target_semaphore(%run_scoped3A : memref<!tpu.dma_semaphore, #tpu.memory_space<semaphore_mem>>)
          %dma_wait3A = tpu.memref_slice %arg3[%multiple_of3A, %multiple_of3A_257] : memref<16x1000000xf32, #tpu.memory_space<hbm>> -> memref<8x128xf32, #tpu.memory_space<hbm>>
          %dma_wait3A_264 = tpu.memref_slice %arg3[%multiple_of3A, %multiple_of3A_257] : memref<16x1000000xf32, #tpu.memory_space<hbm>> -> memref<8x128xf32, #tpu.memory_space<hbm>>
          tpu.wait_dma2 semaphore(%run_scoped3A : memref<!tpu.dma_semaphore, #tpu.memory_space<semaphore_mem>>) src(%arg6 : memref<8x128xf32, #tpu.memory_space<vmem>>) dst(%dma_wait3A_264 : memref<8x128xf32, #tpu.memory_space<hbm>>)
          tpu.yield
        }) : () -> ()
      } else {
      }
      %ge3A_87 = arith.constant 999936 : i32
      %ge3A_88 = arith.cmpi sge, %reduce_max3A_79, %ge3A_87 : i32
      %convert_element_type3A_89 = arith.extui %ge3A_88 : i1 to i32
      %cond3A_90 = arith.constant 0 : i32
      %cond3A_91 = arith.cmpi ne, %convert_element_type3A_89, %cond3A_90 : i32
      scf.if %cond3A_91 {
        %broadcast_in_dim3A_237 = arith.constant 1 : i32
        %broadcast_in_dim3A_238 = vector.broadcast %broadcast_in_dim3A_237 : i32 to vector<16xi32>
        %sub3A = arith.constant 999936 : i32
        %sub3A_239 = arith.subi %reduce_max3A_79, %sub3A : i32
        %mul3A_240 = vector.broadcast %sub3A_239 : i32 to vector<16xi32>
        %mul3A_241 = arith.muli %broadcast_in_dim3A_238, %mul3A_240 : vector<16xi32>
        "tpu.region"() ({
          %run_scoped3A = tpu.sem_alloc : memref<!tpu.dma_semaphore, #tpu.memory_space<semaphore_mem>>
          %dma_start3A = arith.constant 999936 : i32
          %dma_start3A_242 = tpu.memref_slice %arg3[%multiple_of3A, %dma_start3A] : memref<16x1000000xf32, #tpu.memory_space<hbm>> -> memref<8x64xf32, #tpu.memory_space<hbm>>
          %dma_start3A_243 = arith.constant 999936 : i32
          %dma_start3A_244 = tpu.memref_slice %arg3[%multiple_of3A, %dma_start3A_243] : memref<16x1000000xf32, #tpu.memory_space<hbm>> -> memref<8x64xf32, #tpu.memory_space<hbm>>
          tpu.enqueue_dma source(%dma_start3A_244 : memref<8x64xf32, #tpu.memory_space<hbm>>) target(%arg7 : memref<8x64xf32, #tpu.memory_space<vmem>>) target_semaphore(%run_scoped3A : memref<!tpu.dma_semaphore, #tpu.memory_space<semaphore_mem>>)
          %dma_wait3A = arith.constant 999936 : i32
          %dma_wait3A_245 = tpu.memref_slice %arg3[%multiple_of3A, %dma_wait3A] : memref<16x1000000xf32, #tpu.memory_space<hbm>> -> memref<8x64xf32, #tpu.memory_space<hbm>>
          %dma_wait3A_246 = arith.constant 999936 : i32
          %dma_wait3A_247 = tpu.memref_slice %arg3[%multiple_of3A, %dma_wait3A_246] : memref<16x1000000xf32, #tpu.memory_space<hbm>> -> memref<8x64xf32, #tpu.memory_space<hbm>>
          tpu.wait_dma2 semaphore(%run_scoped3A : memref<!tpu.dma_semaphore, #tpu.memory_space<semaphore_mem>>) src(%dma_wait3A_247 : memref<8x64xf32, #tpu.memory_space<hbm>>) dst(%arg7 : memref<8x64xf32, #tpu.memory_space<vmem>>)
          tpu.yield
        }) : () -> ()
        tpu.vector_store_idx %arg7[%broadcast_in_dim3A_81, %mul3A_241], %broadcast_in_dim3A_1 masked %eq3A_3 : memref<8x64xf32, #tpu.memory_space<vmem>>[vector<16xi32>, vector<16xi32>], vector<16xf32>, vector<16xi1>
        "tpu.region"() ({
          %run_scoped3A = tpu.sem_alloc : memref<!tpu.dma_semaphore, #tpu.memory_space<semaphore_mem>>
          %dma_start3A = arith.constant 999936 : i32
          %dma_start3A_242 = tpu.memref_slice %arg3[%multiple_of3A, %dma_start3A] : memref<16x1000000xf32, #tpu.memory_space<hbm>> -> memref<8x64xf32, #tpu.memory_space<hbm>>
          %dma_start3A_243 = arith.constant 999936 : i32
          %dma_start3A_244 = tpu.memref_slice %arg3[%multiple_of3A, %dma_start3A_243] : memref<16x1000000xf32, #tpu.memory_space<hbm>> -> memref<8x64xf32, #tpu.memory_space<hbm>>
          tpu.enqueue_dma source(%arg7 : memref<8x64xf32, #tpu.memory_space<vmem>>) target(%dma_start3A_244 : memref<8x64xf32, #tpu.memory_space<hbm>>) target_semaphore(%run_scoped3A : memref<!tpu.dma_semaphore, #tpu.memory_space<semaphore_mem>>)
          %dma_wait3A = arith.constant 999936 : i32
          %dma_wait3A_245 = tpu.memref_slice %arg3[%multiple_of3A, %dma_wait3A] : memref<16x1000000xf32, #tpu.memory_space<hbm>> -> memref<8x64xf32, #tpu.memory_space<hbm>>
          %dma_wait3A_246 = arith.constant 999936 : i32
          %dma_wait3A_247 = tpu.memref_slice %arg3[%multiple_of3A, %dma_wait3A_246] : memref<16x1000000xf32, #tpu.memory_space<hbm>> -> memref<8x64xf32, #tpu.memory_space<hbm>>
          tpu.wait_dma2 semaphore(%run_scoped3A : memref<!tpu.dma_semaphore, #tpu.memory_space<semaphore_mem>>) src(%arg7 : memref<8x64xf32, #tpu.memory_space<vmem>>) dst(%dma_wait3A_247 : memref<8x64xf32, #tpu.memory_space<hbm>>)
          tpu.yield
        }) : () -> ()
      } else {
      }
      %mul3A_92 = arith.constant 8 : i32
      %mul3A_93 = arith.muli %add3A, %mul3A_92 : i32
      %add3A_94 = arith.constant 3 : i32
      %add3A_95 = arith.addi %mul3A_93, %add3A_94 : i32
      %eq3A_96 = vector.broadcast %add3A_95 : i32 to vector<16xi32>
      %eq3A_97 = arith.cmpi eq, %iota3A, %eq3A_96 : vector<16xi32>
      %jit3A_98 = arith.constant 0 : i32
      %broadcast_in_dim3A_99 = vector.broadcast %jit3A_98 : i32 to vector<16xi32>
      %select_n3A_100 = arith.select %eq3A_97, %get3A_4, %broadcast_in_dim3A_99 : vector<16xi1>, vector<16xi32>
      %reduce_max3A_101 = arith.constant true
      %reduce_max3A_102 = vector.broadcast %reduce_max3A_101 : i1 to vector<16xi1>
      %reduce_max3A_103 = arith.constant -2147483648 : i32
      %reduce_max3A_104 = vector.broadcast %reduce_max3A_103 : i32 to vector<16xi32>
      %reduce_max3A_105 = arith.xori %select_n3A_100, %reduce_max3A_104 : vector<16xi32>
      %reduce_max3A_106 = tpu.scan <max>, %reduce_max3A_105 masked %reduce_max3A_102 : vector<16xi32>, vector<16xi1> -> vector<16xi32>
      %reduce_max3A_107 = arith.xori %reduce_max3A_106, %reduce_max3A_104 : vector<16xi32>
      %reduce_max3A_108 = vector.extract %reduce_max3A_107[15] : i32 from vector<16xi32>
      %broadcast_in_dim3A_109 = arith.constant 3 : i32
      %broadcast_in_dim3A_110 = vector.broadcast %broadcast_in_dim3A_109 : i32 to vector<16xi32>
      %lt3A_111 = arith.constant 999936 : i32
      %lt3A_112 = arith.cmpi slt, %reduce_max3A_108, %lt3A_111 : i32
      %convert_element_type3A_113 = arith.extui %lt3A_112 : i1 to i32
      %cond3A_114 = arith.constant 0 : i32
      %cond3A_115 = arith.cmpi ne, %convert_element_type3A_113, %cond3A_114 : i32
      scf.if %cond3A_115 {
        %jit3A_237 = arith.constant 128 : i32
        %div3A = arith.divsi %reduce_max3A_108, %jit3A_237 : i32
        %sign3A = arith.constant 0 : i32
        %sign3A_238 = arith.cmpi sgt, %reduce_max3A_108, %sign3A : i32
        %sign3A_239 = arith.extui %sign3A_238 : i1 to i32
        %sign3A_240 = arith.constant 0 : i32
        %sign3A_241 = arith.cmpi slt, %reduce_max3A_108, %sign3A_240 : i32
        %sign3A_242 = arith.extui %sign3A_241 : i1 to i32
        %sign3A_243 = arith.subi %sign3A_239, %sign3A_242 : i32
        %sign3A_244 = arith.constant 0 : i32
        %sign3A_245 = arith.cmpi sgt, %jit3A_237, %sign3A_244 : i32
        %sign3A_246 = arith.extui %sign3A_245 : i1 to i32
        %sign3A_247 = arith.constant 0 : i32
        %sign3A_248 = arith.cmpi slt, %jit3A_237, %sign3A_247 : i32
        %sign3A_249 = arith.extui %sign3A_248 : i1 to i32
        %sign3A_250 = arith.subi %sign3A_246, %sign3A_249 : i32
        %ne3A = arith.cmpi ne, %sign3A_243, %sign3A_250 : i32
        %rem3A = arith.remsi %reduce_max3A_108, %jit3A_237 : i32
        %ne3A_251 = arith.constant 0 : i32
        %ne3A_252 = arith.cmpi ne, %rem3A, %ne3A_251 : i32
        %and3A = arith.andi %ne3A, %ne3A_252 : i1
        %sub3A = arith.constant 1 : i32
        %sub3A_253 = arith.subi %div3A, %sub3A : i32
        %select_n3A_254 = arith.select %and3A, %sub3A_253, %div3A : i32
        %mul3A_255 = arith.constant 128 : i32
        %mul3A_256 = arith.muli %select_n3A_254, %mul3A_255 : i32
        %multiple_of3A_257 = tpu.assume_multiple %mul3A_256, 128 : i32
        %broadcast_in_dim3A_258 = arith.constant 1 : i32
        %broadcast_in_dim3A_259 = vector.broadcast %broadcast_in_dim3A_258 : i32 to vector<16xi32>
        %sub3A_260 = arith.subi %reduce_max3A_108, %multiple_of3A_257 : i32
        %mul3A_261 = vector.broadcast %sub3A_260 : i32 to vector<16xi32>
        %mul3A_262 = arith.muli %broadcast_in_dim3A_259, %mul3A_261 : vector<16xi32>
        "tpu.region"() ({
          %run_scoped3A = tpu.sem_alloc : memref<!tpu.dma_semaphore, #tpu.memory_space<semaphore_mem>>
          %dma_start3A = tpu.memref_slice %arg3[%multiple_of3A, %multiple_of3A_257] : memref<16x1000000xf32, #tpu.memory_space<hbm>> -> memref<8x128xf32, #tpu.memory_space<hbm>>
          %dma_start3A_263 = tpu.memref_slice %arg3[%multiple_of3A, %multiple_of3A_257] : memref<16x1000000xf32, #tpu.memory_space<hbm>> -> memref<8x128xf32, #tpu.memory_space<hbm>>
          tpu.enqueue_dma source(%dma_start3A_263 : memref<8x128xf32, #tpu.memory_space<hbm>>) target(%arg6 : memref<8x128xf32, #tpu.memory_space<vmem>>) target_semaphore(%run_scoped3A : memref<!tpu.dma_semaphore, #tpu.memory_space<semaphore_mem>>)
          %dma_wait3A = tpu.memref_slice %arg3[%multiple_of3A, %multiple_of3A_257] : memref<16x1000000xf32, #tpu.memory_space<hbm>> -> memref<8x128xf32, #tpu.memory_space<hbm>>
          %dma_wait3A_264 = tpu.memref_slice %arg3[%multiple_of3A, %multiple_of3A_257] : memref<16x1000000xf32, #tpu.memory_space<hbm>> -> memref<8x128xf32, #tpu.memory_space<hbm>>
          tpu.wait_dma2 semaphore(%run_scoped3A : memref<!tpu.dma_semaphore, #tpu.memory_space<semaphore_mem>>) src(%dma_wait3A_264 : memref<8x128xf32, #tpu.memory_space<hbm>>) dst(%arg6 : memref<8x128xf32, #tpu.memory_space<vmem>>)
          tpu.yield
        }) : () -> ()
        tpu.vector_store_idx %arg6[%broadcast_in_dim3A_110, %mul3A_262], %broadcast_in_dim3A_1 masked %eq3A_3 : memref<8x128xf32, #tpu.memory_space<vmem>>[vector<16xi32>, vector<16xi32>], vector<16xf32>, vector<16xi1>
        "tpu.region"() ({
          %run_scoped3A = tpu.sem_alloc : memref<!tpu.dma_semaphore, #tpu.memory_space<semaphore_mem>>
          %dma_start3A = tpu.memref_slice %arg3[%multiple_of3A, %multiple_of3A_257] : memref<16x1000000xf32, #tpu.memory_space<hbm>> -> memref<8x128xf32, #tpu.memory_space<hbm>>
          %dma_start3A_263 = tpu.memref_slice %arg3[%multiple_of3A, %multiple_of3A_257] : memref<16x1000000xf32, #tpu.memory_space<hbm>> -> memref<8x128xf32, #tpu.memory_space<hbm>>
          tpu.enqueue_dma source(%arg6 : memref<8x128xf32, #tpu.memory_space<vmem>>) target(%dma_start3A_263 : memref<8x128xf32, #tpu.memory_space<hbm>>) target_semaphore(%run_scoped3A : memref<!tpu.dma_semaphore, #tpu.memory_space<semaphore_mem>>)
          %dma_wait3A = tpu.memref_slice %arg3[%multiple_of3A, %multiple_of3A_257] : memref<16x1000000xf32, #tpu.memory_space<hbm>> -> memref<8x128xf32, #tpu.memory_space<hbm>>
          %dma_wait3A_264 = tpu.memref_slice %arg3[%multiple_of3A, %multiple_of3A_257] : memref<16x1000000xf32, #tpu.memory_space<hbm>> -> memref<8x128xf32, #tpu.memory_space<hbm>>
          tpu.wait_dma2 semaphore(%run_scoped3A : memref<!tpu.dma_semaphore, #tpu.memory_space<semaphore_mem>>) src(%arg6 : memref<8x128xf32, #tpu.memory_space<vmem>>) dst(%dma_wait3A_264 : memref<8x128xf32, #tpu.memory_space<hbm>>)
          tpu.yield
        }) : () -> ()
      } else {
      }
      %ge3A_116 = arith.constant 999936 : i32
      %ge3A_117 = arith.cmpi sge, %reduce_max3A_108, %ge3A_116 : i32
      %convert_element_type3A_118 = arith.extui %ge3A_117 : i1 to i32
      %cond3A_119 = arith.constant 0 : i32
      %cond3A_120 = arith.cmpi ne, %convert_element_type3A_118, %cond3A_119 : i32
      scf.if %cond3A_120 {
        %broadcast_in_dim3A_237 = arith.constant 1 : i32
        %broadcast_in_dim3A_238 = vector.broadcast %broadcast_in_dim3A_237 : i32 to vector<16xi32>
        %sub3A = arith.constant 999936 : i32
        %sub3A_239 = arith.subi %reduce_max3A_108, %sub3A : i32
        %mul3A_240 = vector.broadcast %sub3A_239 : i32 to vector<16xi32>
        %mul3A_241 = arith.muli %broadcast_in_dim3A_238, %mul3A_240 : vector<16xi32>
        "tpu.region"() ({
          %run_scoped3A = tpu.sem_alloc : memref<!tpu.dma_semaphore, #tpu.memory_space<semaphore_mem>>
          %dma_start3A = arith.constant 999936 : i32
          %dma_start3A_242 = tpu.memref_slice %arg3[%multiple_of3A, %dma_start3A] : memref<16x1000000xf32, #tpu.memory_space<hbm>> -> memref<8x64xf32, #tpu.memory_space<hbm>>
          %dma_start3A_243 = arith.constant 999936 : i32
          %dma_start3A_244 = tpu.memref_slice %arg3[%multiple_of3A, %dma_start3A_243] : memref<16x1000000xf32, #tpu.memory_space<hbm>> -> memref<8x64xf32, #tpu.memory_space<hbm>>
          tpu.enqueue_dma source(%dma_start3A_244 : memref<8x64xf32, #tpu.memory_space<hbm>>) target(%arg7 : memref<8x64xf32, #tpu.memory_space<vmem>>) target_semaphore(%run_scoped3A : memref<!tpu.dma_semaphore, #tpu.memory_space<semaphore_mem>>)
          %dma_wait3A = arith.constant 999936 : i32
          %dma_wait3A_245 = tpu.memref_slice %arg3[%multiple_of3A, %dma_wait3A] : memref<16x1000000xf32, #tpu.memory_space<hbm>> -> memref<8x64xf32, #tpu.memory_space<hbm>>
          %dma_wait3A_246 = arith.constant 999936 : i32
          %dma_wait3A_247 = tpu.memref_slice %arg3[%multiple_of3A, %dma_wait3A_246] : memref<16x1000000xf32, #tpu.memory_space<hbm>> -> memref<8x64xf32, #tpu.memory_space<hbm>>
          tpu.wait_dma2 semaphore(%run_scoped3A : memref<!tpu.dma_semaphore, #tpu.memory_space<semaphore_mem>>) src(%dma_wait3A_247 : memref<8x64xf32, #tpu.memory_space<hbm>>) dst(%arg7 : memref<8x64xf32, #tpu.memory_space<vmem>>)
          tpu.yield
        }) : () -> ()
        tpu.vector_store_idx %arg7[%broadcast_in_dim3A_110, %mul3A_241], %broadcast_in_dim3A_1 masked %eq3A_3 : memref<8x64xf32, #tpu.memory_space<vmem>>[vector<16xi32>, vector<16xi32>], vector<16xf32>, vector<16xi1>
        "tpu.region"() ({
          %run_scoped3A = tpu.sem_alloc : memref<!tpu.dma_semaphore, #tpu.memory_space<semaphore_mem>>
          %dma_start3A = arith.constant 999936 : i32
          %dma_start3A_242 = tpu.memref_slice %arg3[%multiple_of3A, %dma_start3A] : memref<16x1000000xf32, #tpu.memory_space<hbm>> -> memref<8x64xf32, #tpu.memory_space<hbm>>
          %dma_start3A_243 = arith.constant 999936 : i32
          %dma_start3A_244 = tpu.memref_slice %arg3[%multiple_of3A, %dma_start3A_243] : memref<16x1000000xf32, #tpu.memory_space<hbm>> -> memref<8x64xf32, #tpu.memory_space<hbm>>
          tpu.enqueue_dma source(%arg7 : memref<8x64xf32, #tpu.memory_space<vmem>>) target(%dma_start3A_244 : memref<8x64xf32, #tpu.memory_space<hbm>>) target_semaphore(%run_scoped3A : memref<!tpu.dma_semaphore, #tpu.memory_space<semaphore_mem>>)
          %dma_wait3A = arith.constant 999936 : i32
          %dma_wait3A_245 = tpu.memref_slice %arg3[%multiple_of3A, %dma_wait3A] : memref<16x1000000xf32, #tpu.memory_space<hbm>> -> memref<8x64xf32, #tpu.memory_space<hbm>>
          %dma_wait3A_246 = arith.constant 999936 : i32
          %dma_wait3A_247 = tpu.memref_slice %arg3[%multiple_of3A, %dma_wait3A_246] : memref<16x1000000xf32, #tpu.memory_space<hbm>> -> memref<8x64xf32, #tpu.memory_space<hbm>>
          tpu.wait_dma2 semaphore(%run_scoped3A : memref<!tpu.dma_semaphore, #tpu.memory_space<semaphore_mem>>) src(%arg7 : memref<8x64xf32, #tpu.memory_space<vmem>>) dst(%dma_wait3A_247 : memref<8x64xf32, #tpu.memory_space<hbm>>)
          tpu.yield
        }) : () -> ()
      } else {
      }
      %mul3A_121 = arith.constant 8 : i32
      %mul3A_122 = arith.muli %add3A, %mul3A_121 : i32
      %add3A_123 = arith.constant 4 : i32
      %add3A_124 = arith.addi %mul3A_122, %add3A_123 : i32
      %eq3A_125 = vector.broadcast %add3A_124 : i32 to vector<16xi32>
      %eq3A_126 = arith.cmpi eq, %iota3A, %eq3A_125 : vector<16xi32>
      %jit3A_127 = arith.constant 0 : i32
      %broadcast_in_dim3A_128 = vector.broadcast %jit3A_127 : i32 to vector<16xi32>
      %select_n3A_129 = arith.select %eq3A_126, %get3A_4, %broadcast_in_dim3A_128 : vector<16xi1>, vector<16xi32>
      %reduce_max3A_130 = arith.constant true
      %reduce_max3A_131 = vector.broadcast %reduce_max3A_130 : i1 to vector<16xi1>
      %reduce_max3A_132 = arith.constant -2147483648 : i32
      %reduce_max3A_133 = vector.broadcast %reduce_max3A_132 : i32 to vector<16xi32>
      %reduce_max3A_134 = arith.xori %select_n3A_129, %reduce_max3A_133 : vector<16xi32>
      %reduce_max3A_135 = tpu.scan <max>, %reduce_max3A_134 masked %reduce_max3A_131 : vector<16xi32>, vector<16xi1> -> vector<16xi32>
      %reduce_max3A_136 = arith.xori %reduce_max3A_135, %reduce_max3A_133 : vector<16xi32>
      %reduce_max3A_137 = vector.extract %reduce_max3A_136[15] : i32 from vector<16xi32>
      %broadcast_in_dim3A_138 = arith.constant 4 : i32
      %broadcast_in_dim3A_139 = vector.broadcast %broadcast_in_dim3A_138 : i32 to vector<16xi32>
      %lt3A_140 = arith.constant 999936 : i32
      %lt3A_141 = arith.cmpi slt, %reduce_max3A_137, %lt3A_140 : i32
      %convert_element_type3A_142 = arith.extui %lt3A_141 : i1 to i32
      %cond3A_143 = arith.constant 0 : i32
      %cond3A_144 = arith.cmpi ne, %convert_element_type3A_142, %cond3A_143 : i32
      scf.if %cond3A_144 {
        %jit3A_237 = arith.constant 128 : i32
        %div3A = arith.divsi %reduce_max3A_137, %jit3A_237 : i32
        %sign3A = arith.constant 0 : i32
        %sign3A_238 = arith.cmpi sgt, %reduce_max3A_137, %sign3A : i32
        %sign3A_239 = arith.extui %sign3A_238 : i1 to i32
        %sign3A_240 = arith.constant 0 : i32
        %sign3A_241 = arith.cmpi slt, %reduce_max3A_137, %sign3A_240 : i32
        %sign3A_242 = arith.extui %sign3A_241 : i1 to i32
        %sign3A_243 = arith.subi %sign3A_239, %sign3A_242 : i32
        %sign3A_244 = arith.constant 0 : i32
        %sign3A_245 = arith.cmpi sgt, %jit3A_237, %sign3A_244 : i32
        %sign3A_246 = arith.extui %sign3A_245 : i1 to i32
        %sign3A_247 = arith.constant 0 : i32
        %sign3A_248 = arith.cmpi slt, %jit3A_237, %sign3A_247 : i32
        %sign3A_249 = arith.extui %sign3A_248 : i1 to i32
        %sign3A_250 = arith.subi %sign3A_246, %sign3A_249 : i32
        %ne3A = arith.cmpi ne, %sign3A_243, %sign3A_250 : i32
        %rem3A = arith.remsi %reduce_max3A_137, %jit3A_237 : i32
        %ne3A_251 = arith.constant 0 : i32
        %ne3A_252 = arith.cmpi ne, %rem3A, %ne3A_251 : i32
        %and3A = arith.andi %ne3A, %ne3A_252 : i1
        %sub3A = arith.constant 1 : i32
        %sub3A_253 = arith.subi %div3A, %sub3A : i32
        %select_n3A_254 = arith.select %and3A, %sub3A_253, %div3A : i32
        %mul3A_255 = arith.constant 128 : i32
        %mul3A_256 = arith.muli %select_n3A_254, %mul3A_255 : i32
        %multiple_of3A_257 = tpu.assume_multiple %mul3A_256, 128 : i32
        %broadcast_in_dim3A_258 = arith.constant 1 : i32
        %broadcast_in_dim3A_259 = vector.broadcast %broadcast_in_dim3A_258 : i32 to vector<16xi32>
        %sub3A_260 = arith.subi %reduce_max3A_137, %multiple_of3A_257 : i32
        %mul3A_261 = vector.broadcast %sub3A_260 : i32 to vector<16xi32>
        %mul3A_262 = arith.muli %broadcast_in_dim3A_259, %mul3A_261 : vector<16xi32>
        "tpu.region"() ({
          %run_scoped3A = tpu.sem_alloc : memref<!tpu.dma_semaphore, #tpu.memory_space<semaphore_mem>>
          %dma_start3A = tpu.memref_slice %arg3[%multiple_of3A, %multiple_of3A_257] : memref<16x1000000xf32, #tpu.memory_space<hbm>> -> memref<8x128xf32, #tpu.memory_space<hbm>>
          %dma_start3A_263 = tpu.memref_slice %arg3[%multiple_of3A, %multiple_of3A_257] : memref<16x1000000xf32, #tpu.memory_space<hbm>> -> memref<8x128xf32, #tpu.memory_space<hbm>>
          tpu.enqueue_dma source(%dma_start3A_263 : memref<8x128xf32, #tpu.memory_space<hbm>>) target(%arg6 : memref<8x128xf32, #tpu.memory_space<vmem>>) target_semaphore(%run_scoped3A : memref<!tpu.dma_semaphore, #tpu.memory_space<semaphore_mem>>)
          %dma_wait3A = tpu.memref_slice %arg3[%multiple_of3A, %multiple_of3A_257] : memref<16x1000000xf32, #tpu.memory_space<hbm>> -> memref<8x128xf32, #tpu.memory_space<hbm>>
          %dma_wait3A_264 = tpu.memref_slice %arg3[%multiple_of3A, %multiple_of3A_257] : memref<16x1000000xf32, #tpu.memory_space<hbm>> -> memref<8x128xf32, #tpu.memory_space<hbm>>
          tpu.wait_dma2 semaphore(%run_scoped3A : memref<!tpu.dma_semaphore, #tpu.memory_space<semaphore_mem>>) src(%dma_wait3A_264 : memref<8x128xf32, #tpu.memory_space<hbm>>) dst(%arg6 : memref<8x128xf32, #tpu.memory_space<vmem>>)
          tpu.yield
        }) : () -> ()
        tpu.vector_store_idx %arg6[%broadcast_in_dim3A_139, %mul3A_262], %broadcast_in_dim3A_1 masked %eq3A_3 : memref<8x128xf32, #tpu.memory_space<vmem>>[vector<16xi32>, vector<16xi32>], vector<16xf32>, vector<16xi1>
        "tpu.region"() ({
          %run_scoped3A = tpu.sem_alloc : memref<!tpu.dma_semaphore, #tpu.memory_space<semaphore_mem>>
          %dma_start3A = tpu.memref_slice %arg3[%multiple_of3A, %multiple_of3A_257] : memref<16x1000000xf32, #tpu.memory_space<hbm>> -> memref<8x128xf32, #tpu.memory_space<hbm>>
          %dma_start3A_263 = tpu.memref_slice %arg3[%multiple_of3A, %multiple_of3A_257] : memref<16x1000000xf32, #tpu.memory_space<hbm>> -> memref<8x128xf32, #tpu.memory_space<hbm>>
          tpu.enqueue_dma source(%arg6 : memref<8x128xf32, #tpu.memory_space<vmem>>) target(%dma_start3A_263 : memref<8x128xf32, #tpu.memory_space<hbm>>) target_semaphore(%run_scoped3A : memref<!tpu.dma_semaphore, #tpu.memory_space<semaphore_mem>>)
          %dma_wait3A = tpu.memref_slice %arg3[%multiple_of3A, %multiple_of3A_257] : memref<16x1000000xf32, #tpu.memory_space<hbm>> -> memref<8x128xf32, #tpu.memory_space<hbm>>
          %dma_wait3A_264 = tpu.memref_slice %arg3[%multiple_of3A, %multiple_of3A_257] : memref<16x1000000xf32, #tpu.memory_space<hbm>> -> memref<8x128xf32, #tpu.memory_space<hbm>>
          tpu.wait_dma2 semaphore(%run_scoped3A : memref<!tpu.dma_semaphore, #tpu.memory_space<semaphore_mem>>) src(%arg6 : memref<8x128xf32, #tpu.memory_space<vmem>>) dst(%dma_wait3A_264 : memref<8x128xf32, #tpu.memory_space<hbm>>)
          tpu.yield
        }) : () -> ()
      } else {
      }
      %ge3A_145 = arith.constant 999936 : i32
      %ge3A_146 = arith.cmpi sge, %reduce_max3A_137, %ge3A_145 : i32
      %convert_element_type3A_147 = arith.extui %ge3A_146 : i1 to i32
      %cond3A_148 = arith.constant 0 : i32
      %cond3A_149 = arith.cmpi ne, %convert_element_type3A_147, %cond3A_148 : i32
      scf.if %cond3A_149 {
        %broadcast_in_dim3A_237 = arith.constant 1 : i32
        %broadcast_in_dim3A_238 = vector.broadcast %broadcast_in_dim3A_237 : i32 to vector<16xi32>
        %sub3A = arith.constant 999936 : i32
        %sub3A_239 = arith.subi %reduce_max3A_137, %sub3A : i32
        %mul3A_240 = vector.broadcast %sub3A_239 : i32 to vector<16xi32>
        %mul3A_241 = arith.muli %broadcast_in_dim3A_238, %mul3A_240 : vector<16xi32>
        "tpu.region"() ({
          %run_scoped3A = tpu.sem_alloc : memref<!tpu.dma_semaphore, #tpu.memory_space<semaphore_mem>>
          %dma_start3A = arith.constant 999936 : i32
          %dma_start3A_242 = tpu.memref_slice %arg3[%multiple_of3A, %dma_start3A] : memref<16x1000000xf32, #tpu.memory_space<hbm>> -> memref<8x64xf32, #tpu.memory_space<hbm>>
          %dma_start3A_243 = arith.constant 999936 : i32
          %dma_start3A_244 = tpu.memref_slice %arg3[%multiple_of3A, %dma_start3A_243] : memref<16x1000000xf32, #tpu.memory_space<hbm>> -> memref<8x64xf32, #tpu.memory_space<hbm>>
          tpu.enqueue_dma source(%dma_start3A_244 : memref<8x64xf32, #tpu.memory_space<hbm>>) target(%arg7 : memref<8x64xf32, #tpu.memory_space<vmem>>) target_semaphore(%run_scoped3A : memref<!tpu.dma_semaphore, #tpu.memory_space<semaphore_mem>>)
          %dma_wait3A = arith.constant 999936 : i32
          %dma_wait3A_245 = tpu.memref_slice %arg3[%multiple_of3A, %dma_wait3A] : memref<16x1000000xf32, #tpu.memory_space<hbm>> -> memref<8x64xf32, #tpu.memory_space<hbm>>
          %dma_wait3A_246 = arith.constant 999936 : i32
          %dma_wait3A_247 = tpu.memref_slice %arg3[%multiple_of3A, %dma_wait3A_246] : memref<16x1000000xf32, #tpu.memory_space<hbm>> -> memref<8x64xf32, #tpu.memory_space<hbm>>
          tpu.wait_dma2 semaphore(%run_scoped3A : memref<!tpu.dma_semaphore, #tpu.memory_space<semaphore_mem>>) src(%dma_wait3A_247 : memref<8x64xf32, #tpu.memory_space<hbm>>) dst(%arg7 : memref<8x64xf32, #tpu.memory_space<vmem>>)
          tpu.yield
        }) : () -> ()
        tpu.vector_store_idx %arg7[%broadcast_in_dim3A_139, %mul3A_241], %broadcast_in_dim3A_1 masked %eq3A_3 : memref<8x64xf32, #tpu.memory_space<vmem>>[vector<16xi32>, vector<16xi32>], vector<16xf32>, vector<16xi1>
        "tpu.region"() ({
          %run_scoped3A = tpu.sem_alloc : memref<!tpu.dma_semaphore, #tpu.memory_space<semaphore_mem>>
          %dma_start3A = arith.constant 999936 : i32
          %dma_start3A_242 = tpu.memref_slice %arg3[%multiple_of3A, %dma_start3A] : memref<16x1000000xf32, #tpu.memory_space<hbm>> -> memref<8x64xf32, #tpu.memory_space<hbm>>
          %dma_start3A_243 = arith.constant 999936 : i32
          %dma_start3A_244 = tpu.memref_slice %arg3[%multiple_of3A, %dma_start3A_243] : memref<16x1000000xf32, #tpu.memory_space<hbm>> -> memref<8x64xf32, #tpu.memory_space<hbm>>
          tpu.enqueue_dma source(%arg7 : memref<8x64xf32, #tpu.memory_space<vmem>>) target(%dma_start3A_244 : memref<8x64xf32, #tpu.memory_space<hbm>>) target_semaphore(%run_scoped3A : memref<!tpu.dma_semaphore, #tpu.memory_space<semaphore_mem>>)
          %dma_wait3A = arith.constant 999936 : i32
          %dma_wait3A_245 = tpu.memref_slice %arg3[%multiple_of3A, %dma_wait3A] : memref<16x1000000xf32, #tpu.memory_space<hbm>> -> memref<8x64xf32, #tpu.memory_space<hbm>>
          %dma_wait3A_246 = arith.constant 999936 : i32
          %dma_wait3A_247 = tpu.memref_slice %arg3[%multiple_of3A, %dma_wait3A_246] : memref<16x1000000xf32, #tpu.memory_space<hbm>> -> memref<8x64xf32, #tpu.memory_space<hbm>>
          tpu.wait_dma2 semaphore(%run_scoped3A : memref<!tpu.dma_semaphore, #tpu.memory_space<semaphore_mem>>) src(%arg7 : memref<8x64xf32, #tpu.memory_space<vmem>>) dst(%dma_wait3A_247 : memref<8x64xf32, #tpu.memory_space<hbm>>)
          tpu.yield
        }) : () -> ()
      } else {
      }
      %mul3A_150 = arith.constant 8 : i32
      %mul3A_151 = arith.muli %add3A, %mul3A_150 : i32
      %add3A_152 = arith.constant 5 : i32
      %add3A_153 = arith.addi %mul3A_151, %add3A_152 : i32
      %eq3A_154 = vector.broadcast %add3A_153 : i32 to vector<16xi32>
      %eq3A_155 = arith.cmpi eq, %iota3A, %eq3A_154 : vector<16xi32>
      %jit3A_156 = arith.constant 0 : i32
      %broadcast_in_dim3A_157 = vector.broadcast %jit3A_156 : i32 to vector<16xi32>
      %select_n3A_158 = arith.select %eq3A_155, %get3A_4, %broadcast_in_dim3A_157 : vector<16xi1>, vector<16xi32>
      %reduce_max3A_159 = arith.constant true
      %reduce_max3A_160 = vector.broadcast %reduce_max3A_159 : i1 to vector<16xi1>
      %reduce_max3A_161 = arith.constant -2147483648 : i32
      %reduce_max3A_162 = vector.broadcast %reduce_max3A_161 : i32 to vector<16xi32>
      %reduce_max3A_163 = arith.xori %select_n3A_158, %reduce_max3A_162 : vector<16xi32>
      %reduce_max3A_164 = tpu.scan <max>, %reduce_max3A_163 masked %reduce_max3A_160 : vector<16xi32>, vector<16xi1> -> vector<16xi32>
      %reduce_max3A_165 = arith.xori %reduce_max3A_164, %reduce_max3A_162 : vector<16xi32>
      %reduce_max3A_166 = vector.extract %reduce_max3A_165[15] : i32 from vector<16xi32>
      %broadcast_in_dim3A_167 = arith.constant 5 : i32
      %broadcast_in_dim3A_168 = vector.broadcast %broadcast_in_dim3A_167 : i32 to vector<16xi32>
      %lt3A_169 = arith.constant 999936 : i32
      %lt3A_170 = arith.cmpi slt, %reduce_max3A_166, %lt3A_169 : i32
      %convert_element_type3A_171 = arith.extui %lt3A_170 : i1 to i32
      %cond3A_172 = arith.constant 0 : i32
      %cond3A_173 = arith.cmpi ne, %convert_element_type3A_171, %cond3A_172 : i32
      scf.if %cond3A_173 {
        %jit3A_237 = arith.constant 128 : i32
        %div3A = arith.divsi %reduce_max3A_166, %jit3A_237 : i32
        %sign3A = arith.constant 0 : i32
        %sign3A_238 = arith.cmpi sgt, %reduce_max3A_166, %sign3A : i32
        %sign3A_239 = arith.extui %sign3A_238 : i1 to i32
        %sign3A_240 = arith.constant 0 : i32
        %sign3A_241 = arith.cmpi slt, %reduce_max3A_166, %sign3A_240 : i32
        %sign3A_242 = arith.extui %sign3A_241 : i1 to i32
        %sign3A_243 = arith.subi %sign3A_239, %sign3A_242 : i32
        %sign3A_244 = arith.constant 0 : i32
        %sign3A_245 = arith.cmpi sgt, %jit3A_237, %sign3A_244 : i32
        %sign3A_246 = arith.extui %sign3A_245 : i1 to i32
        %sign3A_247 = arith.constant 0 : i32
        %sign3A_248 = arith.cmpi slt, %jit3A_237, %sign3A_247 : i32
        %sign3A_249 = arith.extui %sign3A_248 : i1 to i32
        %sign3A_250 = arith.subi %sign3A_246, %sign3A_249 : i32
        %ne3A = arith.cmpi ne, %sign3A_243, %sign3A_250 : i32
        %rem3A = arith.remsi %reduce_max3A_166, %jit3A_237 : i32
        %ne3A_251 = arith.constant 0 : i32
        %ne3A_252 = arith.cmpi ne, %rem3A, %ne3A_251 : i32
        %and3A = arith.andi %ne3A, %ne3A_252 : i1
        %sub3A = arith.constant 1 : i32
        %sub3A_253 = arith.subi %div3A, %sub3A : i32
        %select_n3A_254 = arith.select %and3A, %sub3A_253, %div3A : i32
        %mul3A_255 = arith.constant 128 : i32
        %mul3A_256 = arith.muli %select_n3A_254, %mul3A_255 : i32
        %multiple_of3A_257 = tpu.assume_multiple %mul3A_256, 128 : i32
        %broadcast_in_dim3A_258 = arith.constant 1 : i32
        %broadcast_in_dim3A_259 = vector.broadcast %broadcast_in_dim3A_258 : i32 to vector<16xi32>
        %sub3A_260 = arith.subi %reduce_max3A_166, %multiple_of3A_257 : i32
        %mul3A_261 = vector.broadcast %sub3A_260 : i32 to vector<16xi32>
        %mul3A_262 = arith.muli %broadcast_in_dim3A_259, %mul3A_261 : vector<16xi32>
        "tpu.region"() ({
          %run_scoped3A = tpu.sem_alloc : memref<!tpu.dma_semaphore, #tpu.memory_space<semaphore_mem>>
          %dma_start3A = tpu.memref_slice %arg3[%multiple_of3A, %multiple_of3A_257] : memref<16x1000000xf32, #tpu.memory_space<hbm>> -> memref<8x128xf32, #tpu.memory_space<hbm>>
          %dma_start3A_263 = tpu.memref_slice %arg3[%multiple_of3A, %multiple_of3A_257] : memref<16x1000000xf32, #tpu.memory_space<hbm>> -> memref<8x128xf32, #tpu.memory_space<hbm>>
          tpu.enqueue_dma source(%dma_start3A_263 : memref<8x128xf32, #tpu.memory_space<hbm>>) target(%arg6 : memref<8x128xf32, #tpu.memory_space<vmem>>) target_semaphore(%run_scoped3A : memref<!tpu.dma_semaphore, #tpu.memory_space<semaphore_mem>>)
          %dma_wait3A = tpu.memref_slice %arg3[%multiple_of3A, %multiple_of3A_257] : memref<16x1000000xf32, #tpu.memory_space<hbm>> -> memref<8x128xf32, #tpu.memory_space<hbm>>
          %dma_wait3A_264 = tpu.memref_slice %arg3[%multiple_of3A, %multiple_of3A_257] : memref<16x1000000xf32, #tpu.memory_space<hbm>> -> memref<8x128xf32, #tpu.memory_space<hbm>>
          tpu.wait_dma2 semaphore(%run_scoped3A : memref<!tpu.dma_semaphore, #tpu.memory_space<semaphore_mem>>) src(%dma_wait3A_264 : memref<8x128xf32, #tpu.memory_space<hbm>>) dst(%arg6 : memref<8x128xf32, #tpu.memory_space<vmem>>)
          tpu.yield
        }) : () -> ()
        tpu.vector_store_idx %arg6[%broadcast_in_dim3A_168, %mul3A_262], %broadcast_in_dim3A_1 masked %eq3A_3 : memref<8x128xf32, #tpu.memory_space<vmem>>[vector<16xi32>, vector<16xi32>], vector<16xf32>, vector<16xi1>
        "tpu.region"() ({
          %run_scoped3A = tpu.sem_alloc : memref<!tpu.dma_semaphore, #tpu.memory_space<semaphore_mem>>
          %dma_start3A = tpu.memref_slice %arg3[%multiple_of3A, %multiple_of3A_257] : memref<16x1000000xf32, #tpu.memory_space<hbm>> -> memref<8x128xf32, #tpu.memory_space<hbm>>
          %dma_start3A_263 = tpu.memref_slice %arg3[%multiple_of3A, %multiple_of3A_257] : memref<16x1000000xf32, #tpu.memory_space<hbm>> -> memref<8x128xf32, #tpu.memory_space<hbm>>
          tpu.enqueue_dma source(%arg6 : memref<8x128xf32, #tpu.memory_space<vmem>>) target(%dma_start3A_263 : memref<8x128xf32, #tpu.memory_space<hbm>>) target_semaphore(%run_scoped3A : memref<!tpu.dma_semaphore, #tpu.memory_space<semaphore_mem>>)
          %dma_wait3A = tpu.memref_slice %arg3[%multiple_of3A, %multiple_of3A_257] : memref<16x1000000xf32, #tpu.memory_space<hbm>> -> memref<8x128xf32, #tpu.memory_space<hbm>>
          %dma_wait3A_264 = tpu.memref_slice %arg3[%multiple_of3A, %multiple_of3A_257] : memref<16x1000000xf32, #tpu.memory_space<hbm>> -> memref<8x128xf32, #tpu.memory_space<hbm>>
          tpu.wait_dma2 semaphore(%run_scoped3A : memref<!tpu.dma_semaphore, #tpu.memory_space<semaphore_mem>>) src(%arg6 : memref<8x128xf32, #tpu.memory_space<vmem>>) dst(%dma_wait3A_264 : memref<8x128xf32, #tpu.memory_space<hbm>>)
          tpu.yield
        }) : () -> ()
      } else {
      }
      %ge3A_174 = arith.constant 999936 : i32
      %ge3A_175 = arith.cmpi sge, %reduce_max3A_166, %ge3A_174 : i32
      %convert_element_type3A_176 = arith.extui %ge3A_175 : i1 to i32
      %cond3A_177 = arith.constant 0 : i32
      %cond3A_178 = arith.cmpi ne, %convert_element_type3A_176, %cond3A_177 : i32
      scf.if %cond3A_178 {
        %broadcast_in_dim3A_237 = arith.constant 1 : i32
        %broadcast_in_dim3A_238 = vector.broadcast %broadcast_in_dim3A_237 : i32 to vector<16xi32>
        %sub3A = arith.constant 999936 : i32
        %sub3A_239 = arith.subi %reduce_max3A_166, %sub3A : i32
        %mul3A_240 = vector.broadcast %sub3A_239 : i32 to vector<16xi32>
        %mul3A_241 = arith.muli %broadcast_in_dim3A_238, %mul3A_240 : vector<16xi32>
        "tpu.region"() ({
          %run_scoped3A = tpu.sem_alloc : memref<!tpu.dma_semaphore, #tpu.memory_space<semaphore_mem>>
          %dma_start3A = arith.constant 999936 : i32
          %dma_start3A_242 = tpu.memref_slice %arg3[%multiple_of3A, %dma_start3A] : memref<16x1000000xf32, #tpu.memory_space<hbm>> -> memref<8x64xf32, #tpu.memory_space<hbm>>
          %dma_start3A_243 = arith.constant 999936 : i32
          %dma_start3A_244 = tpu.memref_slice %arg3[%multiple_of3A, %dma_start3A_243] : memref<16x1000000xf32, #tpu.memory_space<hbm>> -> memref<8x64xf32, #tpu.memory_space<hbm>>
          tpu.enqueue_dma source(%dma_start3A_244 : memref<8x64xf32, #tpu.memory_space<hbm>>) target(%arg7 : memref<8x64xf32, #tpu.memory_space<vmem>>) target_semaphore(%run_scoped3A : memref<!tpu.dma_semaphore, #tpu.memory_space<semaphore_mem>>)
          %dma_wait3A = arith.constant 999936 : i32
          %dma_wait3A_245 = tpu.memref_slice %arg3[%multiple_of3A, %dma_wait3A] : memref<16x1000000xf32, #tpu.memory_space<hbm>> -> memref<8x64xf32, #tpu.memory_space<hbm>>
          %dma_wait3A_246 = arith.constant 999936 : i32
          %dma_wait3A_247 = tpu.memref_slice %arg3[%multiple_of3A, %dma_wait3A_246] : memref<16x1000000xf32, #tpu.memory_space<hbm>> -> memref<8x64xf32, #tpu.memory_space<hbm>>
          tpu.wait_dma2 semaphore(%run_scoped3A : memref<!tpu.dma_semaphore, #tpu.memory_space<semaphore_mem>>) src(%dma_wait3A_247 : memref<8x64xf32, #tpu.memory_space<hbm>>) dst(%arg7 : memref<8x64xf32, #tpu.memory_space<vmem>>)
          tpu.yield
        }) : () -> ()
        tpu.vector_store_idx %arg7[%broadcast_in_dim3A_168, %mul3A_241], %broadcast_in_dim3A_1 masked %eq3A_3 : memref<8x64xf32, #tpu.memory_space<vmem>>[vector<16xi32>, vector<16xi32>], vector<16xf32>, vector<16xi1>
        "tpu.region"() ({
          %run_scoped3A = tpu.sem_alloc : memref<!tpu.dma_semaphore, #tpu.memory_space<semaphore_mem>>
          %dma_start3A = arith.constant 999936 : i32
          %dma_start3A_242 = tpu.memref_slice %arg3[%multiple_of3A, %dma_start3A] : memref<16x1000000xf32, #tpu.memory_space<hbm>> -> memref<8x64xf32, #tpu.memory_space<hbm>>
          %dma_start3A_243 = arith.constant 999936 : i32
          %dma_start3A_244 = tpu.memref_slice %arg3[%multiple_of3A, %dma_start3A_243] : memref<16x1000000xf32, #tpu.memory_space<hbm>> -> memref<8x64xf32, #tpu.memory_space<hbm>>
          tpu.enqueue_dma source(%arg7 : memref<8x64xf32, #tpu.memory_space<vmem>>) target(%dma_start3A_244 : memref<8x64xf32, #tpu.memory_space<hbm>>) target_semaphore(%run_scoped3A : memref<!tpu.dma_semaphore, #tpu.memory_space<semaphore_mem>>)
          %dma_wait3A = arith.constant 999936 : i32
          %dma_wait3A_245 = tpu.memref_slice %arg3[%multiple_of3A, %dma_wait3A] : memref<16x1000000xf32, #tpu.memory_space<hbm>> -> memref<8x64xf32, #tpu.memory_space<hbm>>
          %dma_wait3A_246 = arith.constant 999936 : i32
          %dma_wait3A_247 = tpu.memref_slice %arg3[%multiple_of3A, %dma_wait3A_246] : memref<16x1000000xf32, #tpu.memory_space<hbm>> -> memref<8x64xf32, #tpu.memory_space<hbm>>
          tpu.wait_dma2 semaphore(%run_scoped3A : memref<!tpu.dma_semaphore, #tpu.memory_space<semaphore_mem>>) src(%arg7 : memref<8x64xf32, #tpu.memory_space<vmem>>) dst(%dma_wait3A_247 : memref<8x64xf32, #tpu.memory_space<hbm>>)
          tpu.yield
        }) : () -> ()
      } else {
      }
      %mul3A_179 = arith.constant 8 : i32
      %mul3A_180 = arith.muli %add3A, %mul3A_179 : i32
      %add3A_181 = arith.constant 6 : i32
      %add3A_182 = arith.addi %mul3A_180, %add3A_181 : i32
      %eq3A_183 = vector.broadcast %add3A_182 : i32 to vector<16xi32>
      %eq3A_184 = arith.cmpi eq, %iota3A, %eq3A_183 : vector<16xi32>
      %jit3A_185 = arith.constant 0 : i32
      %broadcast_in_dim3A_186 = vector.broadcast %jit3A_185 : i32 to vector<16xi32>
      %select_n3A_187 = arith.select %eq3A_184, %get3A_4, %broadcast_in_dim3A_186 : vector<16xi1>, vector<16xi32>
      %reduce_max3A_188 = arith.constant true
      %reduce_max3A_189 = vector.broadcast %reduce_max3A_188 : i1 to vector<16xi1>
      %reduce_max3A_190 = arith.constant -2147483648 : i32
      %reduce_max3A_191 = vector.broadcast %reduce_max3A_190 : i32 to vector<16xi32>
      %reduce_max3A_192 = arith.xori %select_n3A_187, %reduce_max3A_191 : vector<16xi32>
      %reduce_max3A_193 = tpu.scan <max>, %reduce_max3A_192 masked %reduce_max3A_189 : vector<16xi32>, vector<16xi1> -> vector<16xi32>
      %reduce_max3A_194 = arith.xori %reduce_max3A_193, %reduce_max3A_191 : vector<16xi32>
      %reduce_max3A_195 = vector.extract %reduce_max3A_194[15] : i32 from vector<16xi32>
      %broadcast_in_dim3A_196 = arith.constant 6 : i32
      %broadcast_in_dim3A_197 = vector.broadcast %broadcast_in_dim3A_196 : i32 to vector<16xi32>
      %lt3A_198 = arith.constant 999936 : i32
      %lt3A_199 = arith.cmpi slt, %reduce_max3A_195, %lt3A_198 : i32
      %convert_element_type3A_200 = arith.extui %lt3A_199 : i1 to i32
      %cond3A_201 = arith.constant 0 : i32
      %cond3A_202 = arith.cmpi ne, %convert_element_type3A_200, %cond3A_201 : i32
      scf.if %cond3A_202 {
        %jit3A_237 = arith.constant 128 : i32
        %div3A = arith.divsi %reduce_max3A_195, %jit3A_237 : i32
        %sign3A = arith.constant 0 : i32
        %sign3A_238 = arith.cmpi sgt, %reduce_max3A_195, %sign3A : i32
        %sign3A_239 = arith.extui %sign3A_238 : i1 to i32
        %sign3A_240 = arith.constant 0 : i32
        %sign3A_241 = arith.cmpi slt, %reduce_max3A_195, %sign3A_240 : i32
        %sign3A_242 = arith.extui %sign3A_241 : i1 to i32
        %sign3A_243 = arith.subi %sign3A_239, %sign3A_242 : i32
        %sign3A_244 = arith.constant 0 : i32
        %sign3A_245 = arith.cmpi sgt, %jit3A_237, %sign3A_244 : i32
        %sign3A_246 = arith.extui %sign3A_245 : i1 to i32
        %sign3A_247 = arith.constant 0 : i32
        %sign3A_248 = arith.cmpi slt, %jit3A_237, %sign3A_247 : i32
        %sign3A_249 = arith.extui %sign3A_248 : i1 to i32
        %sign3A_250 = arith.subi %sign3A_246, %sign3A_249 : i32
        %ne3A = arith.cmpi ne, %sign3A_243, %sign3A_250 : i32
        %rem3A = arith.remsi %reduce_max3A_195, %jit3A_237 : i32
        %ne3A_251 = arith.constant 0 : i32
        %ne3A_252 = arith.cmpi ne, %rem3A, %ne3A_251 : i32
        %and3A = arith.andi %ne3A, %ne3A_252 : i1
        %sub3A = arith.constant 1 : i32
        %sub3A_253 = arith.subi %div3A, %sub3A : i32
        %select_n3A_254 = arith.select %and3A, %sub3A_253, %div3A : i32
        %mul3A_255 = arith.constant 128 : i32
        %mul3A_256 = arith.muli %select_n3A_254, %mul3A_255 : i32
        %multiple_of3A_257 = tpu.assume_multiple %mul3A_256, 128 : i32
        %broadcast_in_dim3A_258 = arith.constant 1 : i32
        %broadcast_in_dim3A_259 = vector.broadcast %broadcast_in_dim3A_258 : i32 to vector<16xi32>
        %sub3A_260 = arith.subi %reduce_max3A_195, %multiple_of3A_257 : i32
        %mul3A_261 = vector.broadcast %sub3A_260 : i32 to vector<16xi32>
        %mul3A_262 = arith.muli %broadcast_in_dim3A_259, %mul3A_261 : vector<16xi32>
        "tpu.region"() ({
          %run_scoped3A = tpu.sem_alloc : memref<!tpu.dma_semaphore, #tpu.memory_space<semaphore_mem>>
          %dma_start3A = tpu.memref_slice %arg3[%multiple_of3A, %multiple_of3A_257] : memref<16x1000000xf32, #tpu.memory_space<hbm>> -> memref<8x128xf32, #tpu.memory_space<hbm>>
          %dma_start3A_263 = tpu.memref_slice %arg3[%multiple_of3A, %multiple_of3A_257] : memref<16x1000000xf32, #tpu.memory_space<hbm>> -> memref<8x128xf32, #tpu.memory_space<hbm>>
          tpu.enqueue_dma source(%dma_start3A_263 : memref<8x128xf32, #tpu.memory_space<hbm>>) target(%arg6 : memref<8x128xf32, #tpu.memory_space<vmem>>) target_semaphore(%run_scoped3A : memref<!tpu.dma_semaphore, #tpu.memory_space<semaphore_mem>>)
          %dma_wait3A = tpu.memref_slice %arg3[%multiple_of3A, %multiple_of3A_257] : memref<16x1000000xf32, #tpu.memory_space<hbm>> -> memref<8x128xf32, #tpu.memory_space<hbm>>
          %dma_wait3A_264 = tpu.memref_slice %arg3[%multiple_of3A, %multiple_of3A_257] : memref<16x1000000xf32, #tpu.memory_space<hbm>> -> memref<8x128xf32, #tpu.memory_space<hbm>>
          tpu.wait_dma2 semaphore(%run_scoped3A : memref<!tpu.dma_semaphore, #tpu.memory_space<semaphore_mem>>) src(%dma_wait3A_264 : memref<8x128xf32, #tpu.memory_space<hbm>>) dst(%arg6 : memref<8x128xf32, #tpu.memory_space<vmem>>)
          tpu.yield
        }) : () -> ()
        tpu.vector_store_idx %arg6[%broadcast_in_dim3A_197, %mul3A_262], %broadcast_in_dim3A_1 masked %eq3A_3 : memref<8x128xf32, #tpu.memory_space<vmem>>[vector<16xi32>, vector<16xi32>], vector<16xf32>, vector<16xi1>
        "tpu.region"() ({
          %run_scoped3A = tpu.sem_alloc : memref<!tpu.dma_semaphore, #tpu.memory_space<semaphore_mem>>
          %dma_start3A = tpu.memref_slice %arg3[%multiple_of3A, %multiple_of3A_257] : memref<16x1000000xf32, #tpu.memory_space<hbm>> -> memref<8x128xf32, #tpu.memory_space<hbm>>
          %dma_start3A_263 = tpu.memref_slice %arg3[%multiple_of3A, %multiple_of3A_257] : memref<16x1000000xf32, #tpu.memory_space<hbm>> -> memref<8x128xf32, #tpu.memory_space<hbm>>
          tpu.enqueue_dma source(%arg6 : memref<8x128xf32, #tpu.memory_space<vmem>>) target(%dma_start3A_263 : memref<8x128xf32, #tpu.memory_space<hbm>>) target_semaphore(%run_scoped3A : memref<!tpu.dma_semaphore, #tpu.memory_space<semaphore_mem>>)
          %dma_wait3A = tpu.memref_slice %arg3[%multiple_of3A, %multiple_of3A_257] : memref<16x1000000xf32, #tpu.memory_space<hbm>> -> memref<8x128xf32, #tpu.memory_space<hbm>>
          %dma_wait3A_264 = tpu.memref_slice %arg3[%multiple_of3A, %multiple_of3A_257] : memref<16x1000000xf32, #tpu.memory_space<hbm>> -> memref<8x128xf32, #tpu.memory_space<hbm>>
          tpu.wait_dma2 semaphore(%run_scoped3A : memref<!tpu.dma_semaphore, #tpu.memory_space<semaphore_mem>>) src(%arg6 : memref<8x128xf32, #tpu.memory_space<vmem>>) dst(%dma_wait3A_264 : memref<8x128xf32, #tpu.memory_space<hbm>>)
          tpu.yield
        }) : () -> ()
      } else {
      }
      %ge3A_203 = arith.constant 999936 : i32
      %ge3A_204 = arith.cmpi sge, %reduce_max3A_195, %ge3A_203 : i32
      %convert_element_type3A_205 = arith.extui %ge3A_204 : i1 to i32
      %cond3A_206 = arith.constant 0 : i32
      %cond3A_207 = arith.cmpi ne, %convert_element_type3A_205, %cond3A_206 : i32
      scf.if %cond3A_207 {
        %broadcast_in_dim3A_237 = arith.constant 1 : i32
        %broadcast_in_dim3A_238 = vector.broadcast %broadcast_in_dim3A_237 : i32 to vector<16xi32>
        %sub3A = arith.constant 999936 : i32
        %sub3A_239 = arith.subi %reduce_max3A_195, %sub3A : i32
        %mul3A_240 = vector.broadcast %sub3A_239 : i32 to vector<16xi32>
        %mul3A_241 = arith.muli %broadcast_in_dim3A_238, %mul3A_240 : vector<16xi32>
        "tpu.region"() ({
          %run_scoped3A = tpu.sem_alloc : memref<!tpu.dma_semaphore, #tpu.memory_space<semaphore_mem>>
          %dma_start3A = arith.constant 999936 : i32
          %dma_start3A_242 = tpu.memref_slice %arg3[%multiple_of3A, %dma_start3A] : memref<16x1000000xf32, #tpu.memory_space<hbm>> -> memref<8x64xf32, #tpu.memory_space<hbm>>
          %dma_start3A_243 = arith.constant 999936 : i32
          %dma_start3A_244 = tpu.memref_slice %arg3[%multiple_of3A, %dma_start3A_243] : memref<16x1000000xf32, #tpu.memory_space<hbm>> -> memref<8x64xf32, #tpu.memory_space<hbm>>
          tpu.enqueue_dma source(%dma_start3A_244 : memref<8x64xf32, #tpu.memory_space<hbm>>) target(%arg7 : memref<8x64xf32, #tpu.memory_space<vmem>>) target_semaphore(%run_scoped3A : memref<!tpu.dma_semaphore, #tpu.memory_space<semaphore_mem>>)
          %dma_wait3A = arith.constant 999936 : i32
          %dma_wait3A_245 = tpu.memref_slice %arg3[%multiple_of3A, %dma_wait3A] : memref<16x1000000xf32, #tpu.memory_space<hbm>> -> memref<8x64xf32, #tpu.memory_space<hbm>>
          %dma_wait3A_246 = arith.constant 999936 : i32
          %dma_wait3A_247 = tpu.memref_slice %arg3[%multiple_of3A, %dma_wait3A_246] : memref<16x1000000xf32, #tpu.memory_space<hbm>> -> memref<8x64xf32, #tpu.memory_space<hbm>>
          tpu.wait_dma2 semaphore(%run_scoped3A : memref<!tpu.dma_semaphore, #tpu.memory_space<semaphore_mem>>) src(%dma_wait3A_247 : memref<8x64xf32, #tpu.memory_space<hbm>>) dst(%arg7 : memref<8x64xf32, #tpu.memory_space<vmem>>)
          tpu.yield
        }) : () -> ()
        tpu.vector_store_idx %arg7[%broadcast_in_dim3A_197, %mul3A_241], %broadcast_in_dim3A_1 masked %eq3A_3 : memref<8x64xf32, #tpu.memory_space<vmem>>[vector<16xi32>, vector<16xi32>], vector<16xf32>, vector<16xi1>
        "tpu.region"() ({
          %run_scoped3A = tpu.sem_alloc : memref<!tpu.dma_semaphore, #tpu.memory_space<semaphore_mem>>
          %dma_start3A = arith.constant 999936 : i32
          %dma_start3A_242 = tpu.memref_slice %arg3[%multiple_of3A, %dma_start3A] : memref<16x1000000xf32, #tpu.memory_space<hbm>> -> memref<8x64xf32, #tpu.memory_space<hbm>>
          %dma_start3A_243 = arith.constant 999936 : i32
          %dma_start3A_244 = tpu.memref_slice %arg3[%multiple_of3A, %dma_start3A_243] : memref<16x1000000xf32, #tpu.memory_space<hbm>> -> memref<8x64xf32, #tpu.memory_space<hbm>>
          tpu.enqueue_dma source(%arg7 : memref<8x64xf32, #tpu.memory_space<vmem>>) target(%dma_start3A_244 : memref<8x64xf32, #tpu.memory_space<hbm>>) target_semaphore(%run_scoped3A : memref<!tpu.dma_semaphore, #tpu.memory_space<semaphore_mem>>)
          %dma_wait3A = arith.constant 999936 : i32
          %dma_wait3A_245 = tpu.memref_slice %arg3[%multiple_of3A, %dma_wait3A] : memref<16x1000000xf32, #tpu.memory_space<hbm>> -> memref<8x64xf32, #tpu.memory_space<hbm>>
          %dma_wait3A_246 = arith.constant 999936 : i32
          %dma_wait3A_247 = tpu.memref_slice %arg3[%multiple_of3A, %dma_wait3A_246] : memref<16x1000000xf32, #tpu.memory_space<hbm>> -> memref<8x64xf32, #tpu.memory_space<hbm>>
          tpu.wait_dma2 semaphore(%run_scoped3A : memref<!tpu.dma_semaphore, #tpu.memory_space<semaphore_mem>>) src(%arg7 : memref<8x64xf32, #tpu.memory_space<vmem>>) dst(%dma_wait3A_247 : memref<8x64xf32, #tpu.memory_space<hbm>>)
          tpu.yield
        }) : () -> ()
      } else {
      }
      %mul3A_208 = arith.constant 8 : i32
      %mul3A_209 = arith.muli %add3A, %mul3A_208 : i32
      %add3A_210 = arith.constant 7 : i32
      %add3A_211 = arith.addi %mul3A_209, %add3A_210 : i32
      %eq3A_212 = vector.broadcast %add3A_211 : i32 to vector<16xi32>
      %eq3A_213 = arith.cmpi eq, %iota3A, %eq3A_212 : vector<16xi32>
      %jit3A_214 = arith.constant 0 : i32
      %broadcast_in_dim3A_215 = vector.broadcast %jit3A_214 : i32 to vector<16xi32>
      %select_n3A_216 = arith.select %eq3A_213, %get3A_4, %broadcast_in_dim3A_215 : vector<16xi1>, vector<16xi32>
      %reduce_max3A_217 = arith.constant true
      %reduce_max3A_218 = vector.broadcast %reduce_max3A_217 : i1 to vector<16xi1>
      %reduce_max3A_219 = arith.constant -2147483648 : i32
      %reduce_max3A_220 = vector.broadcast %reduce_max3A_219 : i32 to vector<16xi32>
      %reduce_max3A_221 = arith.xori %select_n3A_216, %reduce_max3A_220 : vector<16xi32>
      %reduce_max3A_222 = tpu.scan <max>, %reduce_max3A_221 masked %reduce_max3A_218 : vector<16xi32>, vector<16xi1> -> vector<16xi32>
      %reduce_max3A_223 = arith.xori %reduce_max3A_222, %reduce_max3A_220 : vector<16xi32>
      %reduce_max3A_224 = vector.extract %reduce_max3A_223[15] : i32 from vector<16xi32>
      %broadcast_in_dim3A_225 = arith.constant 7 : i32
      %broadcast_in_dim3A_226 = vector.broadcast %broadcast_in_dim3A_225 : i32 to vector<16xi32>
      %lt3A_227 = arith.constant 999936 : i32
      %lt3A_228 = arith.cmpi slt, %reduce_max3A_224, %lt3A_227 : i32
      %convert_element_type3A_229 = arith.extui %lt3A_228 : i1 to i32
      %cond3A_230 = arith.constant 0 : i32
      %cond3A_231 = arith.cmpi ne, %convert_element_type3A_229, %cond3A_230 : i32
      scf.if %cond3A_231 {
        %jit3A_237 = arith.constant 128 : i32
        %div3A = arith.divsi %reduce_max3A_224, %jit3A_237 : i32
        %sign3A = arith.constant 0 : i32
        %sign3A_238 = arith.cmpi sgt, %reduce_max3A_224, %sign3A : i32
        %sign3A_239 = arith.extui %sign3A_238 : i1 to i32
        %sign3A_240 = arith.constant 0 : i32
        %sign3A_241 = arith.cmpi slt, %reduce_max3A_224, %sign3A_240 : i32
        %sign3A_242 = arith.extui %sign3A_241 : i1 to i32
        %sign3A_243 = arith.subi %sign3A_239, %sign3A_242 : i32
        %sign3A_244 = arith.constant 0 : i32
        %sign3A_245 = arith.cmpi sgt, %jit3A_237, %sign3A_244 : i32
        %sign3A_246 = arith.extui %sign3A_245 : i1 to i32
        %sign3A_247 = arith.constant 0 : i32
        %sign3A_248 = arith.cmpi slt, %jit3A_237, %sign3A_247 : i32
        %sign3A_249 = arith.extui %sign3A_248 : i1 to i32
        %sign3A_250 = arith.subi %sign3A_246, %sign3A_249 : i32
        %ne3A = arith.cmpi ne, %sign3A_243, %sign3A_250 : i32
        %rem3A = arith.remsi %reduce_max3A_224, %jit3A_237 : i32
        %ne3A_251 = arith.constant 0 : i32
        %ne3A_252 = arith.cmpi ne, %rem3A, %ne3A_251 : i32
        %and3A = arith.andi %ne3A, %ne3A_252 : i1
        %sub3A = arith.constant 1 : i32
        %sub3A_253 = arith.subi %div3A, %sub3A : i32
        %select_n3A_254 = arith.select %and3A, %sub3A_253, %div3A : i32
        %mul3A_255 = arith.constant 128 : i32
        %mul3A_256 = arith.muli %select_n3A_254, %mul3A_255 : i32
        %multiple_of3A_257 = tpu.assume_multiple %mul3A_256, 128 : i32
        %broadcast_in_dim3A_258 = arith.constant 1 : i32
        %broadcast_in_dim3A_259 = vector.broadcast %broadcast_in_dim3A_258 : i32 to vector<16xi32>
        %sub3A_260 = arith.subi %reduce_max3A_224, %multiple_of3A_257 : i32
        %mul3A_261 = vector.broadcast %sub3A_260 : i32 to vector<16xi32>
        %mul3A_262 = arith.muli %broadcast_in_dim3A_259, %mul3A_261 : vector<16xi32>
        "tpu.region"() ({
          %run_scoped3A = tpu.sem_alloc : memref<!tpu.dma_semaphore, #tpu.memory_space<semaphore_mem>>
          %dma_start3A = tpu.memref_slice %arg3[%multiple_of3A, %multiple_of3A_257] : memref<16x1000000xf32, #tpu.memory_space<hbm>> -> memref<8x128xf32, #tpu.memory_space<hbm>>
          %dma_start3A_263 = tpu.memref_slice %arg3[%multiple_of3A, %multiple_of3A_257] : memref<16x1000000xf32, #tpu.memory_space<hbm>> -> memref<8x128xf32, #tpu.memory_space<hbm>>
          tpu.enqueue_dma source(%dma_start3A_263 : memref<8x128xf32, #tpu.memory_space<hbm>>) target(%arg6 : memref<8x128xf32, #tpu.memory_space<vmem>>) target_semaphore(%run_scoped3A : memref<!tpu.dma_semaphore, #tpu.memory_space<semaphore_mem>>)
          %dma_wait3A = tpu.memref_slice %arg3[%multiple_of3A, %multiple_of3A_257] : memref<16x1000000xf32, #tpu.memory_space<hbm>> -> memref<8x128xf32, #tpu.memory_space<hbm>>
          %dma_wait3A_264 = tpu.memref_slice %arg3[%multiple_of3A, %multiple_of3A_257] : memref<16x1000000xf32, #tpu.memory_space<hbm>> -> memref<8x128xf32, #tpu.memory_space<hbm>>
          tpu.wait_dma2 semaphore(%run_scoped3A : memref<!tpu.dma_semaphore, #tpu.memory_space<semaphore_mem>>) src(%dma_wait3A_264 : memref<8x128xf32, #tpu.memory_space<hbm>>) dst(%arg6 : memref<8x128xf32, #tpu.memory_space<vmem>>)
          tpu.yield
        }) : () -> ()
        tpu.vector_store_idx %arg6[%broadcast_in_dim3A_226, %mul3A_262], %broadcast_in_dim3A_1 masked %eq3A_3 : memref<8x128xf32, #tpu.memory_space<vmem>>[vector<16xi32>, vector<16xi32>], vector<16xf32>, vector<16xi1>
        "tpu.region"() ({
          %run_scoped3A = tpu.sem_alloc : memref<!tpu.dma_semaphore, #tpu.memory_space<semaphore_mem>>
          %dma_start3A = tpu.memref_slice %arg3[%multiple_of3A, %multiple_of3A_257] : memref<16x1000000xf32, #tpu.memory_space<hbm>> -> memref<8x128xf32, #tpu.memory_space<hbm>>
          %dma_start3A_263 = tpu.memref_slice %arg3[%multiple_of3A, %multiple_of3A_257] : memref<16x1000000xf32, #tpu.memory_space<hbm>> -> memref<8x128xf32, #tpu.memory_space<hbm>>
          tpu.enqueue_dma source(%arg6 : memref<8x128xf32, #tpu.memory_space<vmem>>) target(%dma_start3A_263 : memref<8x128xf32, #tpu.memory_space<hbm>>) target_semaphore(%run_scoped3A : memref<!tpu.dma_semaphore, #tpu.memory_space<semaphore_mem>>)
          %dma_wait3A = tpu.memref_slice %arg3[%multiple_of3A, %multiple_of3A_257] : memref<16x1000000xf32, #tpu.memory_space<hbm>> -> memref<8x128xf32, #tpu.memory_space<hbm>>
          %dma_wait3A_264 = tpu.memref_slice %arg3[%multiple_of3A, %multiple_of3A_257] : memref<16x1000000xf32, #tpu.memory_space<hbm>> -> memref<8x128xf32, #tpu.memory_space<hbm>>
          tpu.wait_dma2 semaphore(%run_scoped3A : memref<!tpu.dma_semaphore, #tpu.memory_space<semaphore_mem>>) src(%arg6 : memref<8x128xf32, #tpu.memory_space<vmem>>) dst(%dma_wait3A_264 : memref<8x128xf32, #tpu.memory_space<hbm>>)
          tpu.yield
        }) : () -> ()
      } else {
      }
      %ge3A_232 = arith.constant 999936 : i32
      %ge3A_233 = arith.cmpi sge, %reduce_max3A_224, %ge3A_232 : i32
      %convert_element_type3A_234 = arith.extui %ge3A_233 : i1 to i32
      %cond3A_235 = arith.constant 0 : i32
      %cond3A_236 = arith.cmpi ne, %convert_element_type3A_234, %cond3A_235 : i32
      scf.if %cond3A_236 {
        %broadcast_in_dim3A_237 = arith.constant 1 : i32
        %broadcast_in_dim3A_238 = vector.broadcast %broadcast_in_dim3A_237 : i32 to vector<16xi32>
        %sub3A = arith.constant 999936 : i32
        %sub3A_239 = arith.subi %reduce_max3A_224, %sub3A : i32
        %mul3A_240 = vector.broadcast %sub3A_239 : i32 to vector<16xi32>
        %mul3A_241 = arith.muli %broadcast_in_dim3A_238, %mul3A_240 : vector<16xi32>
        "tpu.region"() ({
          %run_scoped3A = tpu.sem_alloc : memref<!tpu.dma_semaphore, #tpu.memory_space<semaphore_mem>>
          %dma_start3A = arith.constant 999936 : i32
          %dma_start3A_242 = tpu.memref_slice %arg3[%multiple_of3A, %dma_start3A] : memref<16x1000000xf32, #tpu.memory_space<hbm>> -> memref<8x64xf32, #tpu.memory_space<hbm>>
          %dma_start3A_243 = arith.constant 999936 : i32
          %dma_start3A_244 = tpu.memref_slice %arg3[%multiple_of3A, %dma_start3A_243] : memref<16x1000000xf32, #tpu.memory_space<hbm>> -> memref<8x64xf32, #tpu.memory_space<hbm>>
          tpu.enqueue_dma source(%dma_start3A_244 : memref<8x64xf32, #tpu.memory_space<hbm>>) target(%arg7 : memref<8x64xf32, #tpu.memory_space<vmem>>) target_semaphore(%run_scoped3A : memref<!tpu.dma_semaphore, #tpu.memory_space<semaphore_mem>>)
          %dma_wait3A = arith.constant 999936 : i32
          %dma_wait3A_245 = tpu.memref_slice %arg3[%multiple_of3A, %dma_wait3A] : memref<16x1000000xf32, #tpu.memory_space<hbm>> -> memref<8x64xf32, #tpu.memory_space<hbm>>
          %dma_wait3A_246 = arith.constant 999936 : i32
          %dma_wait3A_247 = tpu.memref_slice %arg3[%multiple_of3A, %dma_wait3A_246] : memref<16x1000000xf32, #tpu.memory_space<hbm>> -> memref<8x64xf32, #tpu.memory_space<hbm>>
          tpu.wait_dma2 semaphore(%run_scoped3A : memref<!tpu.dma_semaphore, #tpu.memory_space<semaphore_mem>>) src(%dma_wait3A_247 : memref<8x64xf32, #tpu.memory_space<hbm>>) dst(%arg7 : memref<8x64xf32, #tpu.memory_space<vmem>>)
          tpu.yield
        }) : () -> ()
        tpu.vector_store_idx %arg7[%broadcast_in_dim3A_226, %mul3A_241], %broadcast_in_dim3A_1 masked %eq3A_3 : memref<8x64xf32, #tpu.memory_space<vmem>>[vector<16xi32>, vector<16xi32>], vector<16xf32>, vector<16xi1>
        "tpu.region"() ({
          %run_scoped3A = tpu.sem_alloc : memref<!tpu.dma_semaphore, #tpu.memory_space<semaphore_mem>>
          %dma_start3A = arith.constant 999936 : i32
          %dma_start3A_242 = tpu.memref_slice %arg3[%multiple_of3A, %dma_start3A] : memref<16x1000000xf32, #tpu.memory_space<hbm>> -> memref<8x64xf32, #tpu.memory_space<hbm>>
          %dma_start3A_243 = arith.constant 999936 : i32
          %dma_start3A_244 = tpu.memref_slice %arg3[%multiple_of3A, %dma_start3A_243] : memref<16x1000000xf32, #tpu.memory_space<hbm>> -> memref<8x64xf32, #tpu.memory_space<hbm>>
          tpu.enqueue_dma source(%arg7 : memref<8x64xf32, #tpu.memory_space<vmem>>) target(%dma_start3A_244 : memref<8x64xf32, #tpu.memory_space<hbm>>) target_semaphore(%run_scoped3A : memref<!tpu.dma_semaphore, #tpu.memory_space<semaphore_mem>>)
          %dma_wait3A = arith.constant 999936 : i32
          %dma_wait3A_245 = tpu.memref_slice %arg3[%multiple_of3A, %dma_wait3A] : memref<16x1000000xf32, #tpu.memory_space<hbm>> -> memref<8x64xf32, #tpu.memory_space<hbm>>
          %dma_wait3A_246 = arith.constant 999936 : i32
          %dma_wait3A_247 = tpu.memref_slice %arg3[%multiple_of3A, %dma_wait3A_246] : memref<16x1000000xf32, #tpu.memory_space<hbm>> -> memref<8x64xf32, #tpu.memory_space<hbm>>
          tpu.wait_dma2 semaphore(%run_scoped3A : memref<!tpu.dma_semaphore, #tpu.memory_space<semaphore_mem>>) src(%arg7 : memref<8x64xf32, #tpu.memory_space<vmem>>) dst(%dma_wait3A_247 : memref<8x64xf32, #tpu.memory_space<hbm>>)
          tpu.yield
        }) : () -> ()
      } else {
      }
    } else {
    }
    return
  }
}

module attributes {stable_mosaic.version = 14 : i64} {
  func.func @_argmax_body(%arg0: i32, %arg1: memref<16x16384xf32, #tpu.memory_space<vmem>>, %arg2: memref<16x1xi32, #tpu.memory_space<vmem>>, %arg3: memref<16x16384xf32, #tpu.memory_space<vmem>>, %arg4: memref<16x8192xf32, #tpu.memory_space<vmem>>, %arg5: memref<16x8192xi32, #tpu.memory_space<vmem>>) attributes {dimension_semantics = [#tpu.dimension_semantics<arbitrary>], iteration_bounds = array<i64: 62>, scalar_prefetch = 0 : i64, scratch_operands = 2 : i64, tpu.core_type = #tpu.core_type<tc>, window_params = [{transform_indices = @transform_0, window_bounds = array<i64: 16, 16384>}, {pipeline_mode = #tpu.pipeline_mode<synchronous>, transform_indices = @transform_1, window_bounds = array<i64: 16, 1>}, {transform_indices = @transform_2, window_bounds = array<i64: 16, 16384>}]} {
    %broadcast_in_dim3A = arith.constant 0.000000e+00 : f32
    %broadcast_in_dim3A_0 = vector.broadcast %broadcast_in_dim3A : f32 to vector<16x16384xf32>
    %swap3A = arith.constant 0 : index
    %swap3A_1 = arith.constant 0 : index
    %swap3A_2 = vector.load %arg3[%swap3A, %swap3A_1] : memref<16x16384xf32, #tpu.memory_space<vmem>>, vector<16x16384xf32>
    tpu.vector_store %arg3[%swap3A, %swap3A_1], %broadcast_in_dim3A_0 {strides = array<i32>} : memref<16x16384xf32, #tpu.memory_space<vmem>>, vector<16x16384xf32>,
    %eq3A = arith.constant 0 : i32
    %eq3A_3 = arith.cmpi eq, %arg0, %eq3A : i32
    %convert_element_type3A = arith.extui %eq3A_3 : i1 to i32
    %cond3A = arith.constant 0 : i32
    %cond3A_4 = arith.cmpi ne, %convert_element_type3A, %cond3A : i32
    scf.if %cond3A_4 {
      %broadcast_in_dim3A_17 = arith.constant 0xFF800000 : f32
      %broadcast_in_dim3A_18 = vector.broadcast %broadcast_in_dim3A_17 : f32 to vector<16x8192xf32>
      %swap3A_19 = arith.constant 0 : index
      %swap3A_20 = arith.constant 0 : index
      %swap3A_21 = vector.load %arg4[%swap3A_19, %swap3A_20] : memref<16x8192xf32, #tpu.memory_space<vmem>>, vector<16x8192xf32>
      tpu.vector_store %arg4[%swap3A_19, %swap3A_20], %broadcast_in_dim3A_18 {strides = array<i32>} : memref<16x8192xf32, #tpu.memory_space<vmem>>, vector<16x8192xf32>,
      %broadcast_in_dim3A_22 = arith.constant 0 : i32
      %broadcast_in_dim3A_23 = vector.broadcast %broadcast_in_dim3A_22 : i32 to vector<16x8192xi32>
      %swap3A_24 = arith.constant 0 : index
      %swap3A_25 = arith.constant 0 : index
      %swap3A_26 = vector.load %arg5[%swap3A_24, %swap3A_25] : memref<16x8192xi32, #tpu.memory_space<vmem>>, vector<16x8192xi32>
      tpu.vector_store %arg5[%swap3A_24, %swap3A_25], %broadcast_in_dim3A_23 {strides = array<i32>} : memref<16x8192xi32, #tpu.memory_space<vmem>>, vector<16x8192xi32>,
    } else {
    }
    %mul3A = arith.constant 16384 : i32
    %mul3A_5 = arith.muli %arg0, %mul3A : i32
    %scan3A = arith.constant 9.99999968E-21 : f32
    %scan3A_6 = arith.constant 0xFF800000 : f32
    %scan3A_7 = arith.constant 0 : i32
    %scan3A_8 = arith.constant 2 : i32
    %scan3A_9 = arith.addi %scan3A_7, %scan3A_8 : i32
    %scan3A_10 = arith.constant 1 : i32
    scf.for %scan3A_17 = %scan3A_7 to %scan3A_9 step %scan3A_10  : i32 {
      %iota3A = tpu.iota {dimensions = array<i32: 1>} : vector<16x8192xi32>
      %mul3A_18 = arith.constant 8192 : i32
      %mul3A_19 = arith.muli %scan3A_17, %mul3A_18 : i32
      %add3A = arith.addi %mul3A_5, %mul3A_19 : i32
      %add3A_20 = vector.broadcast %add3A : i32 to vector<16x8192xi32>
      %add3A_21 = arith.addi %iota3A, %add3A_20 : vector<16x8192xi32>
      %iota3A_22 = tpu.iota {dimensions = array<i32: 0>} : vector<16x8192xi32>
      %mul3A_23 = arith.constant 1000000 : i32
      %mul3A_24 = vector.broadcast %mul3A_23 : i32 to vector<16x8192xi32>
      %mul3A_25 = arith.muli %iota3A_22, %mul3A_24 : vector<16x8192xi32>
      %add3A_26 = arith.addi %mul3A_25, %add3A_21 : vector<16x8192xi32>
      %add3A_27 = arith.constant 42 : i32
      %add3A_28 = vector.broadcast %add3A_27 : i32 to vector<16x8192xi32>
      %add3A_29 = arith.addi %add3A_26, %add3A_28 : vector<16x8192xi32>
      %shift_left3A = arith.constant 13 : i32
      %shift_left3A_30 = vector.broadcast %shift_left3A : i32 to vector<16x8192xi32>
      %shift_left3A_31 = arith.shli %add3A_29, %shift_left3A_30 : vector<16x8192xi32>
      %shift_right_logical3A = arith.constant 19 : i32
      %shift_right_logical3A_32 = vector.broadcast %shift_right_logical3A : i32 to vector<16x8192xi32>
      %shift_right_logical3A_33 = arith.shrui %add3A_29, %shift_right_logical3A_32 : vector<16x8192xi32>
      %or3A = arith.ori %shift_left3A_31, %shift_right_logical3A_33 : vector<16x8192xi32>
      %xor3A = arith.xori %or3A, %add3A_29 : vector<16x8192xi32>
      %add3A_34 = arith.addi %add3A_29, %xor3A : vector<16x8192xi32>
      %shift_left3A_35 = arith.constant 15 : i32
      %shift_left3A_36 = vector.broadcast %shift_left3A_35 : i32 to vector<16x8192xi32>
      %shift_left3A_37 = arith.shli %xor3A, %shift_left3A_36 : vector<16x8192xi32>
      %shift_right_logical3A_38 = arith.constant 17 : i32
      %shift_right_logical3A_39 = vector.broadcast %shift_right_logical3A_38 : i32 to vector<16x8192xi32>
      %shift_right_logical3A_40 = arith.shrui %xor3A, %shift_right_logical3A_39 : vector<16x8192xi32>
      %or3A_41 = arith.ori %shift_left3A_37, %shift_right_logical3A_40 : vector<16x8192xi32>
      %xor3A_42 = arith.xori %or3A_41, %add3A_34 : vector<16x8192xi32>
      %add3A_43 = arith.addi %add3A_34, %xor3A_42 : vector<16x8192xi32>
      %shift_left3A_44 = arith.constant 26 : i32
      %shift_left3A_45 = vector.broadcast %shift_left3A_44 : i32 to vector<16x8192xi32>
      %shift_left3A_46 = arith.shli %xor3A_42, %shift_left3A_45 : vector<16x8192xi32>
      %shift_right_logical3A_47 = arith.constant 6 : i32
      %shift_right_logical3A_48 = vector.broadcast %shift_right_logical3A_47 : i32 to vector<16x8192xi32>
      %shift_right_logical3A_49 = arith.shrui %xor3A_42, %shift_right_logical3A_48 : vector<16x8192xi32>
      %or3A_50 = arith.ori %shift_left3A_46, %shift_right_logical3A_49 : vector<16x8192xi32>
      %xor3A_51 = arith.xori %or3A_50, %add3A_43 : vector<16x8192xi32>
      %add3A_52 = arith.addi %add3A_43, %xor3A_51 : vector<16x8192xi32>
      %shift_left3A_53 = arith.constant 6 : i32
      %shift_left3A_54 = vector.broadcast %shift_left3A_53 : i32 to vector<16x8192xi32>
      %shift_left3A_55 = arith.shli %xor3A_51, %shift_left3A_54 : vector<16x8192xi32>
      %shift_right_logical3A_56 = arith.constant 26 : i32
      %shift_right_logical3A_57 = vector.broadcast %shift_right_logical3A_56 : i32 to vector<16x8192xi32>
      %shift_right_logical3A_58 = arith.shrui %xor3A_51, %shift_right_logical3A_57 : vector<16x8192xi32>
      %or3A_59 = arith.ori %shift_left3A_55, %shift_right_logical3A_58 : vector<16x8192xi32>
      %xor3A_60 = arith.xori %or3A_59, %add3A_52 : vector<16x8192xi32>
      %add3A_61 = arith.constant 42 : i32
      %add3A_62 = vector.broadcast %add3A_61 : i32 to vector<16x8192xi32>
      %add3A_63 = arith.addi %add3A_52, %add3A_62 : vector<16x8192xi32>
      %add3A_64 = arith.constant 466689008 : i32
      %add3A_65 = arith.constant 1 : i32
      %add3A_66 = arith.addi %add3A_64, %add3A_65 : i32
      %add3A_67 = vector.broadcast %add3A_66 : i32 to vector<16x8192xi32>
      %add3A_68 = arith.addi %xor3A_60, %add3A_67 : vector<16x8192xi32>
      %add3A_69 = arith.addi %add3A_63, %add3A_68 : vector<16x8192xi32>
      %shift_left3A_70 = arith.constant 17 : i32
      %shift_left3A_71 = vector.broadcast %shift_left3A_70 : i32 to vector<16x8192xi32>
      %shift_left3A_72 = arith.shli %add3A_68, %shift_left3A_71 : vector<16x8192xi32>
      %shift_right_logical3A_73 = arith.constant 15 : i32
      %shift_right_logical3A_74 = vector.broadcast %shift_right_logical3A_73 : i32 to vector<16x8192xi32>
      %shift_right_logical3A_75 = arith.shrui %add3A_68, %shift_right_logical3A_74 : vector<16x8192xi32>
      %or3A_76 = arith.ori %shift_left3A_72, %shift_right_logical3A_75 : vector<16x8192xi32>
      %xor3A_77 = arith.xori %or3A_76, %add3A_69 : vector<16x8192xi32>
      %add3A_78 = arith.addi %add3A_69, %xor3A_77 : vector<16x8192xi32>
      %shift_left3A_79 = arith.constant 29 : i32
      %shift_left3A_80 = vector.broadcast %shift_left3A_79 : i32 to vector<16x8192xi32>
      %shift_left3A_81 = arith.shli %xor3A_77, %shift_left3A_80 : vector<16x8192xi32>
      %shift_right_logical3A_82 = arith.constant 3 : i32
      %shift_right_logical3A_83 = vector.broadcast %shift_right_logical3A_82 : i32 to vector<16x8192xi32>
      %shift_right_logical3A_84 = arith.shrui %xor3A_77, %shift_right_logical3A_83 : vector<16x8192xi32>
      %or3A_85 = arith.ori %shift_left3A_81, %shift_right_logical3A_84 : vector<16x8192xi32>
      %xor3A_86 = arith.xori %or3A_85, %add3A_78 : vector<16x8192xi32>
      %add3A_87 = arith.addi %add3A_78, %xor3A_86 : vector<16x8192xi32>
      %shift_left3A_88 = arith.constant 16 : i32
      %shift_left3A_89 = vector.broadcast %shift_left3A_88 : i32 to vector<16x8192xi32>
      %shift_left3A_90 = arith.shli %xor3A_86, %shift_left3A_89 : vector<16x8192xi32>
      %shift_right_logical3A_91 = arith.constant 16 : i32
      %shift_right_logical3A_92 = vector.broadcast %shift_right_logical3A_91 : i32 to vector<16x8192xi32>
      %shift_right_logical3A_93 = arith.shrui %xor3A_86, %shift_right_logical3A_92 : vector<16x8192xi32>
      %or3A_94 = arith.ori %shift_left3A_90, %shift_right_logical3A_93 : vector<16x8192xi32>
      %xor3A_95 = arith.xori %or3A_94, %add3A_87 : vector<16x8192xi32>
      %add3A_96 = arith.addi %add3A_87, %xor3A_95 : vector<16x8192xi32>
      %shift_left3A_97 = arith.constant 24 : i32
      %shift_left3A_98 = vector.broadcast %shift_left3A_97 : i32 to vector<16x8192xi32>
      %shift_left3A_99 = arith.shli %xor3A_95, %shift_left3A_98 : vector<16x8192xi32>
      %shift_right_logical3A_100 = arith.constant 8 : i32
      %shift_right_logical3A_101 = vector.broadcast %shift_right_logical3A_100 : i32 to vector<16x8192xi32>
      %shift_right_logical3A_102 = arith.shrui %xor3A_95, %shift_right_logical3A_101 : vector<16x8192xi32>
      %or3A_103 = arith.ori %shift_left3A_99, %shift_right_logical3A_102 : vector<16x8192xi32>
      %xor3A_104 = arith.xori %or3A_103, %add3A_96 : vector<16x8192xi32>
      %add3A_105 = arith.constant 466689008 : i32
      %add3A_106 = vector.broadcast %add3A_105 : i32 to vector<16x8192xi32>
      %add3A_107 = arith.addi %add3A_96, %add3A_106 : vector<16x8192xi32>
      %add3A_108 = arith.constant 0 : i32
      %add3A_109 = arith.constant 2 : i32
      %add3A_110 = arith.addi %add3A_108, %add3A_109 : i32
      %add3A_111 = vector.broadcast %add3A_110 : i32 to vector<16x8192xi32>
      %add3A_112 = arith.addi %xor3A_104, %add3A_111 : vector<16x8192xi32>
      %add3A_113 = arith.addi %add3A_107, %add3A_112 : vector<16x8192xi32>
      %shift_left3A_114 = arith.constant 13 : i32
      %shift_left3A_115 = vector.broadcast %shift_left3A_114 : i32 to vector<16x8192xi32>
      %shift_left3A_116 = arith.shli %add3A_112, %shift_left3A_115 : vector<16x8192xi32>
      %shift_right_logical3A_117 = arith.constant 19 : i32
      %shift_right_logical3A_118 = vector.broadcast %shift_right_logical3A_117 : i32 to vector<16x8192xi32>
      %shift_right_logical3A_119 = arith.shrui %add3A_112, %shift_right_logical3A_118 : vector<16x8192xi32>
      %or3A_120 = arith.ori %shift_left3A_116, %shift_right_logical3A_119 : vector<16x8192xi32>
      %xor3A_121 = arith.xori %or3A_120, %add3A_113 : vector<16x8192xi32>
      %add3A_122 = arith.addi %add3A_113, %xor3A_121 : vector<16x8192xi32>
      %shift_left3A_123 = arith.constant 15 : i32
      %shift_left3A_124 = vector.broadcast %shift_left3A_123 : i32 to vector<16x8192xi32>
      %shift_left3A_125 = arith.shli %xor3A_121, %shift_left3A_124 : vector<16x8192xi32>
      %shift_right_logical3A_126 = arith.constant 17 : i32
      %shift_right_logical3A_127 = vector.broadcast %shift_right_logical3A_126 : i32 to vector<16x8192xi32>
      %shift_right_logical3A_128 = arith.shrui %xor3A_121, %shift_right_logical3A_127 : vector<16x8192xi32>
      %or3A_129 = arith.ori %shift_left3A_125, %shift_right_logical3A_128 : vector<16x8192xi32>
      %xor3A_130 = arith.xori %or3A_129, %add3A_122 : vector<16x8192xi32>
      %add3A_131 = arith.addi %add3A_122, %xor3A_130 : vector<16x8192xi32>
      %shift_left3A_132 = arith.constant 26 : i32
      %shift_left3A_133 = vector.broadcast %shift_left3A_132 : i32 to vector<16x8192xi32>
      %shift_left3A_134 = arith.shli %xor3A_130, %shift_left3A_133 : vector<16x8192xi32>
      %shift_right_logical3A_135 = arith.constant 6 : i32
      %shift_right_logical3A_136 = vector.broadcast %shift_right_logical3A_135 : i32 to vector<16x8192xi32>
      %shift_right_logical3A_137 = arith.shrui %xor3A_130, %shift_right_logical3A_136 : vector<16x8192xi32>
      %or3A_138 = arith.ori %shift_left3A_134, %shift_right_logical3A_137 : vector<16x8192xi32>
      %xor3A_139 = arith.xori %or3A_138, %add3A_131 : vector<16x8192xi32>
      %add3A_140 = arith.addi %add3A_131, %xor3A_139 : vector<16x8192xi32>
      %shift_left3A_141 = arith.constant 6 : i32
      %shift_left3A_142 = vector.broadcast %shift_left3A_141 : i32 to vector<16x8192xi32>
      %shift_left3A_143 = arith.shli %xor3A_139, %shift_left3A_142 : vector<16x8192xi32>
      %shift_right_logical3A_144 = arith.constant 26 : i32
      %shift_right_logical3A_145 = vector.broadcast %shift_right_logical3A_144 : i32 to vector<16x8192xi32>
      %shift_right_logical3A_146 = arith.shrui %xor3A_139, %shift_right_logical3A_145 : vector<16x8192xi32>
      %or3A_147 = arith.ori %shift_left3A_143, %shift_right_logical3A_146 : vector<16x8192xi32>
      %xor3A_148 = arith.xori %or3A_147, %add3A_140 : vector<16x8192xi32>
      %add3A_149 = arith.constant 0 : i32
      %add3A_150 = vector.broadcast %add3A_149 : i32 to vector<16x8192xi32>
      %add3A_151 = arith.addi %add3A_140, %add3A_150 : vector<16x8192xi32>
      %add3A_152 = arith.constant 42 : i32
      %add3A_153 = arith.constant 3 : i32
      %add3A_154 = arith.addi %add3A_152, %add3A_153 : i32
      %add3A_155 = vector.broadcast %add3A_154 : i32 to vector<16x8192xi32>
      %add3A_156 = arith.addi %xor3A_148, %add3A_155 : vector<16x8192xi32>
      %add3A_157 = arith.addi %add3A_151, %add3A_156 : vector<16x8192xi32>
      %shift_left3A_158 = arith.constant 17 : i32
      %shift_left3A_159 = vector.broadcast %shift_left3A_158 : i32 to vector<16x8192xi32>
      %shift_left3A_160 = arith.shli %add3A_156, %shift_left3A_159 : vector<16x8192xi32>
      %shift_right_logical3A_161 = arith.constant 15 : i32
      %shift_right_logical3A_162 = vector.broadcast %shift_right_logical3A_161 : i32 to vector<16x8192xi32>
      %shift_right_logical3A_163 = arith.shrui %add3A_156, %shift_right_logical3A_162 : vector<16x8192xi32>
      %or3A_164 = arith.ori %shift_left3A_160, %shift_right_logical3A_163 : vector<16x8192xi32>
      %xor3A_165 = arith.xori %or3A_164, %add3A_157 : vector<16x8192xi32>
      %add3A_166 = arith.addi %add3A_157, %xor3A_165 : vector<16x8192xi32>
      %shift_left3A_167 = arith.constant 29 : i32
      %shift_left3A_168 = vector.broadcast %shift_left3A_167 : i32 to vector<16x8192xi32>
      %shift_left3A_169 = arith.shli %xor3A_165, %shift_left3A_168 : vector<16x8192xi32>
      %shift_right_logical3A_170 = arith.constant 3 : i32
      %shift_right_logical3A_171 = vector.broadcast %shift_right_logical3A_170 : i32 to vector<16x8192xi32>
      %shift_right_logical3A_172 = arith.shrui %xor3A_165, %shift_right_logical3A_171 : vector<16x8192xi32>
      %or3A_173 = arith.ori %shift_left3A_169, %shift_right_logical3A_172 : vector<16x8192xi32>
      %xor3A_174 = arith.xori %or3A_173, %add3A_166 : vector<16x8192xi32>
      %add3A_175 = arith.addi %add3A_166, %xor3A_174 : vector<16x8192xi32>
      %shift_left3A_176 = arith.constant 16 : i32
      %shift_left3A_177 = vector.broadcast %shift_left3A_176 : i32 to vector<16x8192xi32>
      %shift_left3A_178 = arith.shli %xor3A_174, %shift_left3A_177 : vector<16x8192xi32>
      %shift_right_logical3A_179 = arith.constant 16 : i32
      %shift_right_logical3A_180 = vector.broadcast %shift_right_logical3A_179 : i32 to vector<16x8192xi32>
      %shift_right_logical3A_181 = arith.shrui %xor3A_174, %shift_right_logical3A_180 : vector<16x8192xi32>
      %or3A_182 = arith.ori %shift_left3A_178, %shift_right_logical3A_181 : vector<16x8192xi32>
      %xor3A_183 = arith.xori %or3A_182, %add3A_175 : vector<16x8192xi32>
      %add3A_184 = arith.addi %add3A_175, %xor3A_183 : vector<16x8192xi32>
      %shift_left3A_185 = arith.constant 24 : i32
      %shift_left3A_186 = vector.broadcast %shift_left3A_185 : i32 to vector<16x8192xi32>
      %shift_left3A_187 = arith.shli %xor3A_183, %shift_left3A_186 : vector<16x8192xi32>
      %shift_right_logical3A_188 = arith.constant 8 : i32
      %shift_right_logical3A_189 = vector.broadcast %shift_right_logical3A_188 : i32 to vector<16x8192xi32>
      %shift_right_logical3A_190 = arith.shrui %xor3A_183, %shift_right_logical3A_189 : vector<16x8192xi32>
      %or3A_191 = arith.ori %shift_left3A_187, %shift_right_logical3A_190 : vector<16x8192xi32>
      %xor3A_192 = arith.xori %or3A_191, %add3A_184 : vector<16x8192xi32>
      %add3A_193 = arith.constant 42 : i32
      %add3A_194 = vector.broadcast %add3A_193 : i32 to vector<16x8192xi32>
      %add3A_195 = arith.addi %add3A_184, %add3A_194 : vector<16x8192xi32>
      %add3A_196 = arith.constant 466689008 : i32
      %add3A_197 = arith.constant 4 : i32
      %add3A_198 = arith.addi %add3A_196, %add3A_197 : i32
      %add3A_199 = vector.broadcast %add3A_198 : i32 to vector<16x8192xi32>
      %add3A_200 = arith.addi %xor3A_192, %add3A_199 : vector<16x8192xi32>
      %add3A_201 = arith.addi %add3A_195, %add3A_200 : vector<16x8192xi32>
      %shift_left3A_202 = arith.constant 13 : i32
      %shift_left3A_203 = vector.broadcast %shift_left3A_202 : i32 to vector<16x8192xi32>
      %shift_left3A_204 = arith.shli %add3A_200, %shift_left3A_203 : vector<16x8192xi32>
      %shift_right_logical3A_205 = arith.constant 19 : i32
      %shift_right_logical3A_206 = vector.broadcast %shift_right_logical3A_205 : i32 to vector<16x8192xi32>
      %shift_right_logical3A_207 = arith.shrui %add3A_200, %shift_right_logical3A_206 : vector<16x8192xi32>
      %or3A_208 = arith.ori %shift_left3A_204, %shift_right_logical3A_207 : vector<16x8192xi32>
      %xor3A_209 = arith.xori %or3A_208, %add3A_201 : vector<16x8192xi32>
      %add3A_210 = arith.addi %add3A_201, %xor3A_209 : vector<16x8192xi32>
      %shift_left3A_211 = arith.constant 15 : i32
      %shift_left3A_212 = vector.broadcast %shift_left3A_211 : i32 to vector<16x8192xi32>
      %shift_left3A_213 = arith.shli %xor3A_209, %shift_left3A_212 : vector<16x8192xi32>
      %shift_right_logical3A_214 = arith.constant 17 : i32
      %shift_right_logical3A_215 = vector.broadcast %shift_right_logical3A_214 : i32 to vector<16x8192xi32>
      %shift_right_logical3A_216 = arith.shrui %xor3A_209, %shift_right_logical3A_215 : vector<16x8192xi32>
      %or3A_217 = arith.ori %shift_left3A_213, %shift_right_logical3A_216 : vector<16x8192xi32>
      %xor3A_218 = arith.xori %or3A_217, %add3A_210 : vector<16x8192xi32>
      %add3A_219 = arith.addi %add3A_210, %xor3A_218 : vector<16x8192xi32>
      %shift_left3A_220 = arith.constant 26 : i32
      %shift_left3A_221 = vector.broadcast %shift_left3A_220 : i32 to vector<16x8192xi32>
      %shift_left3A_222 = arith.shli %xor3A_218, %shift_left3A_221 : vector<16x8192xi32>
      %shift_right_logical3A_223 = arith.constant 6 : i32
      %shift_right_logical3A_224 = vector.broadcast %shift_right_logical3A_223 : i32 to vector<16x8192xi32>
      %shift_right_logical3A_225 = arith.shrui %xor3A_218, %shift_right_logical3A_224 : vector<16x8192xi32>
      %or3A_226 = arith.ori %shift_left3A_222, %shift_right_logical3A_225 : vector<16x8192xi32>
      %xor3A_227 = arith.xori %or3A_226, %add3A_219 : vector<16x8192xi32>
      %add3A_228 = arith.addi %add3A_219, %xor3A_227 : vector<16x8192xi32>
      %shift_left3A_229 = arith.constant 6 : i32
      %shift_left3A_230 = vector.broadcast %shift_left3A_229 : i32 to vector<16x8192xi32>
      %shift_left3A_231 = arith.shli %xor3A_227, %shift_left3A_230 : vector<16x8192xi32>
      %shift_right_logical3A_232 = arith.constant 26 : i32
      %shift_right_logical3A_233 = vector.broadcast %shift_right_logical3A_232 : i32 to vector<16x8192xi32>
      %shift_right_logical3A_234 = arith.shrui %xor3A_227, %shift_right_logical3A_233 : vector<16x8192xi32>
      %or3A_235 = arith.ori %shift_left3A_231, %shift_right_logical3A_234 : vector<16x8192xi32>
      %xor3A_236 = arith.xori %or3A_235, %add3A_228 : vector<16x8192xi32>
      %add3A_237 = arith.constant 466689008 : i32
      %add3A_238 = vector.broadcast %add3A_237 : i32 to vector<16x8192xi32>
      %add3A_239 = arith.addi %add3A_228, %add3A_238 : vector<16x8192xi32>
      %add3A_240 = arith.constant 0 : i32
      %add3A_241 = arith.constant 5 : i32
      %add3A_242 = arith.addi %add3A_240, %add3A_241 : i32
      %add3A_243 = vector.broadcast %add3A_242 : i32 to vector<16x8192xi32>
      %add3A_244 = arith.addi %xor3A_236, %add3A_243 : vector<16x8192xi32>
      %xor3A_245 = arith.xori %add3A_239, %add3A_244 : vector<16x8192xi32>
      %shift_right_logical3A_246 = arith.constant 9 : i32
      %shift_right_logical3A_247 = vector.broadcast %shift_right_logical3A_246 : i32 to vector<16x8192xi32>
      %shift_right_logical3A_248 = arith.shrui %xor3A_245, %shift_right_logical3A_247 : vector<16x8192xi32>
      %or3A_249 = arith.constant 1065353216 : i32
      %or3A_250 = vector.broadcast %or3A_249 : i32 to vector<16x8192xi32>
      %or3A_251 = arith.ori %shift_right_logical3A_248, %or3A_250 : vector<16x8192xi32>
      %bitcast_convert_type3A = tpu.bitcast %or3A_251 : vector<16x8192xi32> -> vector<16x8192xf32>
      %sub3A = arith.constant 1.000000e+00 : f32
      %sub3A_252 = vector.broadcast %sub3A : f32 to vector<16x8192xf32>
      %sub3A_253 = arith.subf %bitcast_convert_type3A, %sub3A_252 : vector<16x8192xf32>
      %add3A_254 = vector.broadcast %scan3A : f32 to vector<16x8192xf32>
      %add3A_255 = arith.addf %sub3A_253, %add3A_254 : vector<16x8192xf32>
      %log3A = math.log %add3A_255 : vector<16x8192xf32>
      %neg3A = arith.constant 0.000000e+00 : f32
      %neg3A_256 = vector.broadcast %neg3A : f32 to vector<16x8192xf32>
      %neg3A_257 = arith.subf %neg3A_256, %log3A : vector<16x8192xf32>
      %add3A_258 = vector.broadcast %scan3A : f32 to vector<16x8192xf32>
      %add3A_259 = arith.addf %neg3A_257, %add3A_258 : vector<16x8192xf32>
      %log3A_260 = math.log %add3A_259 : vector<16x8192xf32>
      %neg3A_261 = arith.constant 0.000000e+00 : f32
      %neg3A_262 = vector.broadcast %neg3A_261 : f32 to vector<16x8192xf32>
      %neg3A_263 = arith.subf %neg3A_262, %log3A_260 : vector<16x8192xf32>
      %mul3A_264 = arith.constant 8192 : i32
      %mul3A_265 = arith.muli %scan3A_17, %mul3A_264 : i32
      %get3A = arith.constant 0 : index
      %get3A_266 = arith.index_cast %mul3A_265 : i32 to index
      %get3A_267 = vector.load %arg1[%get3A, %get3A_266] : memref<16x16384xf32, #tpu.memory_space<vmem>>, vector<16x8192xf32>
      %add3A_268 = arith.addf %get3A_267, %neg3A_263 : vector<16x8192xf32>
      %lt3A = arith.constant 1000000 : i32
      %lt3A_269 = vector.broadcast %lt3A : i32 to vector<16x8192xi32>
      %lt3A_270 = arith.cmpi slt, %add3A_21, %lt3A_269 : vector<16x8192xi32>
      %broadcast_in_dim3A_271 = vector.broadcast %scan3A_6 : f32 to vector<16x8192xf32>
      %select_n3A = arith.select %lt3A_270, %add3A_268, %broadcast_in_dim3A_271 : vector<16x8192xi1>, vector<16x8192xf32>
      %get3A_272 = arith.constant 0 : index
      %get3A_273 = arith.constant 0 : index
      %get3A_274 = vector.load %arg4[%get3A_272, %get3A_273] : memref<16x8192xf32, #tpu.memory_space<vmem>>, vector<16x8192xf32>
      %gt3A = arith.cmpf ogt, %select_n3A, %get3A_274 : vector<16x8192xf32>
      %select_n3A_275 = arith.select %gt3A, %select_n3A, %get3A_274 : vector<16x8192xi1>, vector<16x8192xf32>
      %swap3A_276 = arith.constant 0 : index
      %swap3A_277 = arith.constant 0 : index
      %swap3A_278 = vector.load %arg4[%swap3A_276, %swap3A_277] : memref<16x8192xf32, #tpu.memory_space<vmem>>, vector<16x8192xf32>
      tpu.vector_store %arg4[%swap3A_276, %swap3A_277], %select_n3A_275 {strides = array<i32>} : memref<16x8192xf32, #tpu.memory_space<vmem>>, vector<16x8192xf32>,
      %get3A_279 = arith.constant 0 : index
      %get3A_280 = arith.constant 0 : index
      %get3A_281 = vector.load %arg5[%get3A_279, %get3A_280] : memref<16x8192xi32, #tpu.memory_space<vmem>>, vector<16x8192xi32>
      %select_n3A_282 = arith.select %gt3A, %add3A_21, %get3A_281 : vector<16x8192xi1>, vector<16x8192xi32>
      %swap3A_283 = arith.constant 0 : index
      %swap3A_284 = arith.constant 0 : index
      %swap3A_285 = vector.load %arg5[%swap3A_283, %swap3A_284] : memref<16x8192xi32, #tpu.memory_space<vmem>>, vector<16x8192xi32>
      tpu.vector_store %arg5[%swap3A_283, %swap3A_284], %select_n3A_282 {strides = array<i32>} : memref<16x8192xi32, #tpu.memory_space<vmem>>, vector<16x8192xi32>,
    }
    %scan3A_11 = arith.constant 2 : i32
    %eq3A_12 = arith.constant 61 : i32
    %eq3A_13 = arith.cmpi eq, %arg0, %eq3A_12 : i32
    %convert_element_type3A_14 = arith.extui %eq3A_13 : i1 to i32
    %cond3A_15 = arith.constant 0 : i32
    %cond3A_16 = arith.cmpi ne, %convert_element_type3A_14, %cond3A_15 : i32
    scf.if %cond3A_16 {
      %get3A = arith.constant 0 : index
      %get3A_17 = arith.constant 0 : index
      %get3A_18 = vector.load %arg4[%get3A, %get3A_17] : memref<16x8192xf32, #tpu.memory_space<vmem>>, vector<16x8192xf32>
      %get3A_19 = arith.constant 0 : index
      %get3A_20 = arith.constant 0 : index
      %get3A_21 = vector.load %arg5[%get3A_19, %get3A_20] : memref<16x8192xi32, #tpu.memory_space<vmem>>, vector<16x8192xi32>
      %reduce_max3A = arith.constant dense<0xFF800000> : vector<16xf32>
      %reduce_max3A_22 = vector.multi_reduction <maximumf>, %get3A_18, %reduce_max3A [1] : vector<16x8192xf32> to vector<16xf32>
      %broadcast_in_dim3A_23 = vector.shape_cast %reduce_max3A_22 : vector<16xf32> to vector<16x1xf32>
      %eq3A_24 = vector.broadcast %broadcast_in_dim3A_23 : vector<16x1xf32> to vector<16x8192xf32>
      %eq3A_25 = arith.cmpf oeq, %get3A_18, %eq3A_24 : vector<16x8192xf32>
      %jit3A = arith.constant 2147483647 : i32
      %broadcast_in_dim3A_26 = vector.broadcast %jit3A : i32 to vector<16x8192xi32>
      %select_n3A = arith.select %eq3A_25, %get3A_21, %broadcast_in_dim3A_26 : vector<16x8192xi1>, vector<16x8192xi32>
      %reduce_min3A = arith.constant dense<2147483647> : vector<16xi32>
      %reduce_min3A_27 = vector.multi_reduction <minsi>, %select_n3A, %reduce_min3A [1] : vector<16x8192xi32> to vector<16xi32>
      %broadcast_in_dim3A_28 = vector.shape_cast %reduce_min3A_27 : vector<16xi32> to vector<16x1xi32>
      %swap3A_29 = arith.constant 0 : index
      %swap3A_30 = arith.constant 0 : index
      %swap3A_31 = vector.load %arg2[%swap3A_29, %swap3A_30] : memref<16x1xi32, #tpu.memory_space<vmem>>, vector<16x1xi32>
      tpu.vector_store %arg2[%swap3A_29, %swap3A_30], %broadcast_in_dim3A_28 {strides = array<i32>} : memref<16x1xi32, #tpu.memory_space<vmem>>, vector<16x1xi32>,
    } else {
    }
    return
  }
  func.func @transform_0(%arg0: i32) -> (i32, i32) {
    %c0_i32 = arith.constant 0 : i32
    %c0_i32_0 = arith.constant 0 : i32
    return %c0_i32, %arg0 : i32, i32
  }
  func.func @transform_1(%arg0: i32) -> (i32, i32) {
    %c0_i32 = arith.constant 0 : i32
    %c0_i32_0 = arith.constant 0 : i32
    %c0_i32_1 = arith.constant 0 : i32
    return %c0_i32, %c0_i32_0 : i32, i32
  }
  func.func @transform_2(%arg0: i32) -> (i32, i32) {
    %c0_i32 = arith.constant 0 : i32
    %c0_i32_0 = arith.constant 0 : i32
    return %c0_i32, %arg0 : i32, i32
  }
}

</mosaic_0001>

<sc_bundles>
// kernel: kernel.4.cloned.1.call-start
scs
__scs_entry_jumppad:
0x0: {  	(pc) =	sbr.rel $0x88, $3  }
0x1: {  	(tag) =	ssettag $0x0;
	lr =	simm.s32 $0x1  }
0x2: {  	[smem:$0x3FA0] =	sst lr;
	_ =	strace $0xD0000000  }
0x3: {  	_ = 	snop  }
0x4: {  	_ = 	snop  }
0x5: {  	_ = 	snop  }
0x6: {  	_ = 	snop  }
0x7: {  	_ = 	snop  }
__scs_overlays_trampoline_lowered:
0x8: {  	[smem:$0x3FAF] =	sst s0  }
0x9: {  	[smem:$0x3FB0] =	sst s1  }
0xa: {  	[smem:$0x3FB1] =	sst s2  }
0xb: {  	[smem:$0x3FB2] =	sst s3  }
0xc: {  	[smem:$0x3FB3] =	sst s4  }
0xd: {  	[smem:$0x3FB4] =	sst s5  }
0xe: {  	[smem:$0x3FB5] =	sst s6  }
0xf: {  	[smem:$0x3FB6] =	sst s7  }
0x10: {  	[smem:$0x3FB7] =	sst s8  }
0x11: {  	[smem:$0x3FB8] =	sst s9;
	s0 =	simm.s32 @!p0 $0x0  }
0x12: {  	s1 =	sld [smem:$0x3F9E];
	s0 =	simm.s32 @p0 $0x1  }
0x13: {  	[smem:$0x3FB9] =	sst s0;
	s0 =	simm.s32 @!p1 $0x0  }
0x14: {  	s2 =	sld [smem:$0x3F9D];
	s0 =	simm.s32 @p1 $0x1  }
0x15: {  	[smem:$0x3FBA] =	sst s0;
	s0 =	simm.s32 @!p2 $0x0  }
0x16: {  	s3 =	sld [smem:$0x3FDB];
	s0 =	simm.s32 @p2 $0x1  }
0x17: {  	s4 =	simm.s32 $0x1BF5;
	[smem:$0x3FBC] =	sst s0  }
0x18: {  	s0 =	sld [smem:$0x3F9F];
	_ =	swait.ge [sflag:s4], $0x0  }
0x19: {  	s7 =	sld [smem:$0x3FA0]  }
0x1a: {  	s8 =	sadd.s32 $0xFFFFE003, lr  }
0x1b: {  	s9 =	sadd.s32 $0xFFFFFEF7, lr;
	s5 =	simm.s32 $0xFFFFFFFF;
	p2 =	slt.u32 s8, $0xFFFFF086  }
0x1c: {  	p1 =	slt.u32 s9, $0xF7A;
	s5 =	simm.s32 @!p2 $0x0  }
0x1d: {  	s5 =	simm.s32 @p1 $0x1;
	p0 =	seq.s32 s7, s2  }
0x1e: {  	s7 =	smul.u32 @!p0 $0xF7A, s2;
	p2 =	seq.s32 @!p0 s5, $0x0  }
0x1f: {  	s9 =	smul.u32 $0xF7A, s1;
	s8 =	simm.s32 @!p0 $0x1BF5;
	p2 =	por !p2, p0  }
0x20: {  	[sflag:s8] =	ssyncset.s32 @!p0 $0xFFFFF086;
	s6 =	sadd.s32 @!p0 s3, s7;
	s7 =	simm.s32 @!p0 $0x108  }
0x21: {  	s3 =	sadd.s32 s3, s9;
	s6 =	sadd.s32 @!p0 $0x88, s6;
	s7 =	simm.s32 @p2 $0x1082  }
0x22: {  	[simem:s7], [sflag:s8] =	dma.local @!p0 [hbm:s6], $0xF7A  }
0x23: {  	s9 =	sor.u32 $0xD0000000, s2;
	s6 =	simm.s32 $0x108;
	_ =	swait.ge @!p0 [sflag:s8], $0x0  }
0x24: {  	s3 =	sadd.s32 $0x88, s3;
	s6 =	simm.s32 @!p1 $0x1082;
	[sflag:s4] =	ssyncset.s32 $0xFFFFF086  }
0x25: {  	[simem:s6], [sflag:s4] =	dma.local [hbm:s3], $0xF7A  }
0x26: {  	[smem:$0x3FA0] =	sst s1;
	(tag) =	ssettag s2;
	_ =	strace s9  }
0x27: {  	s1 =	sld [smem:$0x3FB0]  }
0x28: {  	s2 =	sld [smem:$0x3FB1]  }
0x29: {  	s4 =	sld [smem:$0x3FB3]  }
0x2a: {  	p0 =	seq.s32 s5, $0x0;
	s5 =	sld [smem:$0x3FB4]  }
0x2b: {  	s6 =	sld [smem:$0x3FB5]  }
0x2c: {  	s7 =	sld [smem:$0x3FB6]  }
0x2d: {  	s3 =	simm.s32 $0x108;
	s8 =	sld [smem:$0x3FB7]  }
0x2e: {  	s3 =	simm.s32 @!p0 $0x1082;
	s9 =	sld [smem:$0x3FB8]  }
0x2f: {  	lr =	sadd.s32 s0, s3;
	s0 =	sld [smem:$0x3FAF]  }
0x30: {  	s3 =	sld [smem:$0x3FB2]  }
0x31: {  	[smem:$0x3FBB] =	sst s10  }
0x32: {  	s10 =	sld [smem:$0x3FB9];
	_ =	sdelay $0x3  }
0x33: {  	p0 =	seq.s32 s10, $0x1;
	s10 =	sld [smem:$0x3FBB];
	_ =	sdelay $0x3  }
0x34: {  	[smem:$0x3FBB] =	sst s10  }
0x35: {  	s10 =	sld [smem:$0x3FBA];
	_ =	sdelay $0x3  }
0x36: {  	p1 =	seq.s32 s10, $0x1;
	s10 =	sld [smem:$0x3FBB];
	_ =	sdelay $0x3  }
0x37: {  	[smem:$0x3FBB] =	sst s10  }
0x38: {  	s10 =	sld [smem:$0x3FBC]  }
0x39: {  	_ = 	snop;
	(pc) =	sbr.ind lr, $3  }
0x3a: {  	_ = 	snop  }
0x3b: {  	_ = 	snop  }
0x3c: {  	p2 =	seq.s32 s10, $0x1;
	s10 =	sld [smem:$0x3FBB]  }
0x3d: {  	_ =	shalt  }
0x3e: {  	_ =	shalt  }
0x3f: {  	_ =	shalt  }
0x40: {  	_ =	shalt  }
0x41: {  	_ =	shalt  }
0x42: {  	_ =	shalt  }
0x43: {  	_ =	shalt  }
0x44: {  	_ =	shalt  }
0x45: {  	_ =	shalt  }
0x46: {  	_ =	shalt  }
0x47: {  	_ =	shalt  }
0x48: {  	_ =	shalt  }
0x49: {  	_ =	shalt  }
0x4a: {  	_ =	shalt  }
0x4b: {  	_ =	shalt  }
0x4c: {  	_ =	shalt  }
0x4d: {  	_ =	shalt  }
0x4e: {  	_ =	shalt  }
0x4f: {  	_ =	shalt  }
0x50: {  	_ =	shalt  }
0x51: {  	_ =	shalt  }
0x52: {  	_ =	shalt  }
0x53: {  	_ =	shalt  }
0x54: {  	_ =	shalt  }
0x55: {  	_ =	shalt  }
0x56: {  	_ =	shalt  }
0x57: {  	_ =	shalt  }
0x58: {  	_ =	shalt  }
0x59: {  	_ =	shalt  }
0x5a: {  	_ =	shalt  }
0x5b: {  	_ =	shalt  }
0x5c: {  	_ =	shalt  }
0x5d: {  	_ =	shalt  }
0x5e: {  	_ =	shalt  }
0x5f: {  	_ =	shalt  }
0x60: {  	_ =	shalt  }
0x61: {  	_ =	shalt  }
0x62: {  	_ =	shalt  }
0x63: {  	_ =	shalt  }
0x64: {  	_ =	shalt  }
0x65: {  	_ =	shalt  }
0x66: {  	_ =	shalt  }
0x67: {  	_ =	shalt  }
0x68: {  	_ =	shalt  }
0x69: {  	_ =	shalt  }
0x6a: {  	_ =	shalt  }
0x6b: {  	_ =	shalt  }
0x6c: {  	_ =	shalt  }
0x6d: {  	_ =	shalt  }
0x6e: {  	_ =	shalt  }
0x6f: {  	_ =	shalt  }
0x70: {  	_ =	shalt  }
0x71: {  	_ =	shalt  }
0x72: {  	_ =	shalt  }
0x73: {  	_ =	shalt  }
0x74: {  	_ =	shalt  }
0x75: {  	_ =	shalt  }
0x76: {  	_ =	shalt  }
0x77: {  	_ =	shalt  }
0x78: {  	_ =	shalt  }
0x79: {  	_ =	shalt  }
0x7a: {  	_ =	shalt  }
0x7b: {  	_ =	shalt  }
0x7c: {  	_ =	shalt  }
0x7d: {  	_ =	shalt  }
0x7e: {  	_ =	shalt  }
0x7f: {  	_ =	shalt  }
0x80: {  	_ =	shalt  }
0x81: {  	_ =	shalt  }
0x82: {  	_ =	shalt  }
0x83: {  	_ =	shalt  }
0x84: {  	_ =	shalt  }
0x85: {  	_ =	shalt  }
0x86: {  	_ =	shalt  }
0x87: {  	_ =	shalt  }
.Lfunc_end0:
.L_simem_size_0:
called_computation_lowered:
.L_overlay_start_0:
0x88: {  	s2 =	sld [smem:$0x3FD9]  }
0x89: {  	s3 =	sld [smem:$0x3FFE];
	_ =	sdelay $0x1  }
0x8a: {  	s1 =	srdreg.scid  }
0x8b: {  	s0 =	sand.u32 $0x1, s1  }
0x8c: {  	s17 =	sshll.u32 s0, $0xA;
	s2 =	sadd.s32 s3, s2  }
0x8d: {  	s2 =	sadd.s32 s2, s17  }
0x8e: {  	[smem:$0x3FC7] =	sst s2  }
0x8f: {  	_ = 	snop  }
0x90: {  	s2 =	sld [smem:$0x3FD0];
	(tm) =	ssettm $0x1  }
0x91: {  	s18 =	sld [smem:$0x3FFB];
	_ =	sdelay $0x3  }
0x92: {  	_ =	strace s18  }
0x93: {  	s3 =	sld [smem:$0x3FFC];
	_ =	sdelay $0x3  }
0x94: {  	_ =	strace s3  }
0x95: {  	s3 =	sld [smem:$0x3FFD];
	_ =	sdelay $0x3  }
0x96: {  	_ =	strace s3  }
0x97: {  	_ =	strace $0x8FFFFFFF  }
0x98: {  	s19 =	sld [smem:$0x3FDB];
	_ =	sdelay $0x1  }
0x99: {  	s4 =	simm.s32 $_scs_section_size  }
0x9a: {  	s5 =	simm.s32 $_size__tile_overlayer_lowered;
	s6 =	simm.s32 $_tile_overlayer_lowered  }
0x9b: {  	s22 =	simm.s32 $0x1BFF;
	s21 =	sshll.u32 s6, $0x1;
	s3 =	sadd.s32 s4, s19  }
0x9c: {  	s7 =	simm.s32 $0x0;
	s20 =	sshll.u32 s5, $0x1;
	s5 =	sadd.s32 s21, s3  }
0x9d: {  	[timem:s7], [sflag:s22] =	dma.local [hbm:s5], s20  }
0x9e: {  	_ =	swait.ge [sflag:s22], s20  }
0x9f: {  	s4 =	ssub.s32 $0x0, s20;
	[sflag:s22] =	ssyncset.done $0x0  }
0xa0: {  	[sflag:s22] =	ssyncadd.s32 s4;
	_ =	sdelay $0x1  }
0xa1: {  	s23 =	simm.s32 $0x1B8B  }
0xa2: {  	_ =	swait.ge [sflag:s23], $0x1  }
0xa3: {  	[sflag:s23] =	ssyncset.done $0x0  }
0xa4: {  	s25 =	simm.s32 $0x1B8E;
	s24 =	sld [smem:$0x3FFE];
	[sflag:s23] =	ssyncadd.s32 $0xFFFFFFFF  }
0xa5: {  	s26 =	simm.s32 $execute0_lowered;
	[smem:$0x3FD2] =	sst s25  }
0xa6: {  	s5 =	sshll.u32 s26, $0x1;
	_ =	strace $0x80000046;
	[dreg:$0x1] =	wrdreg $0xFFFFFFFF  }
0xa7: {  	s28 =	simm.s32 $_size_execute0_lowered;
	s3 =	sadd.s32 s3, s5;
	[dreg:$0x0] =	wrdreg $0x0  }
0xa8: {  	s5 =	sshll.u32 s28, $0x1;
	[dreg:$0x2] =	wrdreg s3  }
0xa9: {  	[dreg:$0x3] =	wrdreg s5  }
0xaa: {  	[dreg:$0x4] =	wrdreg $0xC0  }
0xab: {  	_ =	task [dreg:s7], $0x5FFFF  }
0xac: {  	[dreg:$0x1] =	wrdreg $0xFFFFFFFF  }
0xad: {  	[dreg:$0x0] =	wrdreg $0x60  }
0xae: {  	[dreg:$0x2] =	wrdreg s24  }
0xaf: {  	[dreg:$0x3] =	wrdreg s2  }
0xb0: {  	[dreg:$0x4] =	wrdreg $0x9  }
0xb1: {  	_ =	task.clear_ibuf [dreg:s7], $0x5FFFF;
	_ =	strace $0x90000046  }
0xb2: {  	s29 =	simm.s32 $0x9;
	_ =	strace $0x80000048  }
0xb3: {  	_ =	swait.ge [sflag:s29], $0x1  }
0xb4: {  	[sflag:s29] =	ssyncadd.s32 $0xFFFFFFFF  }
0xb5: {  	_ =	strace $0x90000048  }
0xb6: {  	_ =	sfence  }
0xb7: {  	s30 =	sld [smem:$0x0];
	_ =	sdelay $0x2  }
0xb8: {  	s31 =	sshll.u32 s1, $0xD;
	s1 =	sshrl.u32 s1, $0x2  }
0xb9: {  	s3 =	sand.u32 $0x4000, s31;
	s1 =	sadd.s32 s1, s30  }
0xba: {  	s0 =	sor.u32 s3, s0;
	s1 =	sshll.u32 s1, $0x11  }
0xbb: {  	s0 =	sor.u32 s1, s0  }
0xbc: {  	s0 =	sadd.s32 $0x8F2B, s0  }
0xbd: {  	[sflag:s0] =	ssyncadd.remote.s32 $0x1  }
0xbe: {  	_ =	sfence.sel $0xFFFF  }
0xbf: {  	[dreg:$0x0] =	wrdreg $0xFFFFFFFF;
	(pc) =	sbr.abs _section_cstart, $3  }
0xc0: {  	[dreg:$0x1] =	wrdreg $0xFFFFFFFF  }
0xc1: {  	_ =	task.clear_ibuf [dreg:s7], $0x2FFFF;
	_ =	strace $0x9FFFFFFF  }
0xc2: {  	(tm) =	ssettm $0x7FFFFFFF  }
0xc3: {  	_ =	shalt  }
tec
execute0_lowered:
.L_overlay_start_1:
0x0: {  	(tag) =	ssettag $0x1  }
0x1: {  	s4 =	rddreg [dreg:$0x0];
	s0 =	srdreg.scid  }
0x2: {  	s1 =	rddreg [dreg:$0x1];
	s2 =	simm.s32 $0x0;
	s5 =	sand.u32 $0x1, s0  }
0x3: {  	s31 =	stileid.u32;
	s0 =	rddreg [dreg:$0x2];
	s6 =	sshll.u32 s5, $0x3  }
0x4: {  	s3 =	smul.u32 $0x7A1400, s5;
	s26 =	sshllo.u32 s5, $0x3;
	s7 =	sor.u32 $0x1, s6  }
0x5: {  	v8 =	vlaneseq.u32;
	s8 =	sor.u32 $0x2, s6;
	v0 =	vmov s6;
	s24 =	sor.u32 $0x3, s6;
	s25 =	sor.u32 $0x4, s6;
	v7 =	vmov s26  }
.Ltmp0:
0x6: {  	s9 =	sor.u32 $0x5, s6;
	s6 =	sor.u32 $0x6, s6;
	v1 =	vmov s7;
	v2 =	vmov s8;
	v3 =	vmov s24;
	(pc) =	sbr.rel .LBB2_1-.Ltmp0, $4  }
0x7: {  	[smem:$0x7FF] =	sst s2;
	s4 =	sadd.s32 $0x200, s4;
	s5 =	ssub.s32 $0x2, s5;
	v4 =	vmov s25;
	v5 =	vmov s9;
	v6 =	vmov s6  }
0x8: {  	p0 =	sne.s32 s31, $0x0;
	s29 =	sshrl.u32 s5, $0x1;
	s28 =	sshrl.u32 s3, $0x3;
	vm0 =	veq.s32 v0, v8;
	v0 =	vimm.f32 $1.000000000e+00;
	vm7 =	veq.s32 v7, v8  }
0x9: {  	_ =	strace $0x80000047;
	s6 =	ssub.s32 s5, s29;
	s30 =	sadd.s32 s1, s28;
	vm1 =	veq.s32 v1, v8;
	vm2 =	veq.s32 v2, v8;
	vm3 =	veq.s32 v3, v8  }
0xa: {  	s7 =	simm.s32 $0x1;
	vm4 =	veq.s32 v4, v8;
	s6 =	smax.u32 s6, $0x1;
	vm5 =	veq.s32 v5, v8;
	vm6 =	veq.s32 v6, v8;
	s5 =	sadd.s32 $0xF4200, s30  }
.LBB2_3:
0xb: {  	s6 =	sadd.s32 $0xFFFFFFFF, s6  }
0xc: {  	p1 =	sne.s32 s6, $0x0  }
.Ltmp1:
0xd: {  	_ = 	snop;
	(pc) =	sbr.rel @!p1 .LBB2_4-.Ltmp1, $1  }
0xe: {  	_ =	sdelay $0x3  }
.LBB2_1:
.Ltmp2:
0xf: {  	(pc) =	sbr.rel @p0 .LBB2_3-.Ltmp2, $4  }
0x10: {  	[tilespmem:s2], [sflag:$0x1] =	stream.linear.gather [hbm4b:s4+s2], $0x80, $0x38;
	[tilespmem:$0x880] =	vst v63  }
0x11: {  	_ =	swait.ge [sflag:s7], $0x80  }
0x12: {  	[sflag:s7] =	ssyncset.done $0x0  }
0x13: {  	[sflag:s7] =	ssyncadd.s32 $0xFFFFFF80  }
0x14: {  	v1 =	vld [tilespmem:$0x0];
	_ =	sdelay $0x4  }
0x15: {  	v1 =	vxor.u32 $0x80000000, v1  }
0x16: {  	v2 =	vnsel vm0, $0x80000000, v1  }
0x17: {  	(xrf0) =	vmax.scan.msk.u32 $0xffff, v2;
	_ =	sdelay $0x5  }
0x18: {  	v2, _, _ =	vpop (xrf0)  }
0x19: {  	(v2sf) =	vpush v2, $0xF;
	_ =	sdelay $0xe  }
0x1a: {  	s8 =	spop (v2sf)  }
0x1b: {  	s9 =	sxor.u32 $0x80000000, s8  }
0x1c: {  	p1 =	sgt.s32 s9, $0xF41FF  }
0x1d: {  	s10 =	sadd.s32 @p1 $0x7FF0BE00, s8  }
0x1e: {  	s11 =	simm.s32 @p1 $0x0;
	s12 =	simm.s32 @p1 $0x480;
	p2 =	sgt.s32 @!p1 s8, $0xFFFFFFFF  }
0x1f: {  	[tilespmem:s12], [sflag:$0x1] =	stream.linear.gather @p1 [hbm4b:s5+s11], $0x400, $0x38;
	[tilespmem:$0x880] =	vst v63  }
0x20: {  	p3 =	slt.s32 @!p1 s9, $0x1;
	s8 =	sand.u32 @!p1 $0x7F, s8;
	v2 =	vmov @p1 s10;
	s10 =	simm.s32 @p1 $0x1  }
0x21: {  	p2 =	por @!p1 p2, p3;
	p3 =	sne.s32 @!p1 s8, $0x0;
	s8 =	sshra.s32 @!p1 s9, $0x1F  }
0x22: {  	_ =	swait.ge @p1 [sflag:s10], $0x400;
	p2 =	por @!p1 !p3, !p2;
	s8 =	sshrl.u32 @!p1 s8, $0x19  }
0x23: {  	[sflag:s10] =	ssyncset.done @p1 $0x0;
	p2 =	por @!p1 !p2, !p2;
	s8 =	sadd.s32 @!p1 s8, s9  }
0x24: {  	[sflag:s10] =	ssyncadd.s32 @p1 $0xFFFFFC00;
	p2 =	por !p2, p1;
	s10 =	simm.s32 @!p1 $0x1  }
0x25: {  	v3 =	vimm.f32 @p1 $1.000000000e+00;
	s8 =	sshra.s32 @!p1 s8, $0x7;
	s10 =	simm.s32 @p2 $0x0  }
0x26: {  	[tilespmem:v2+s12+$0x0] =	vst.idx.msk @p1 $0x1, v3;
	s8 =	ssub.s32 @!p1 s8, s10  }
0x27: {  	[hbm4b:s5+s11] =	stream.linear.scatter @p1 [tilespmem:s12], [sflag:$0x1], $0x400, $0x38;
	[tilespmem:$0x880] =	vst v63  }
0x28: {  	s10 =	sshll.u32 @!p1 s8, $0xA  }
0x29: {  	s8 =	sshll.u32 @!p1 s8, $0x7;
	s10 =	sadd.s32 @!p1 s3, s10  }
0x2a: {  	s11 =	simm.s32 @!p1 $0x1;
	s8 =	ssub.s32 @!p1 s9, s8;
	s9 =	sshrl.u32 @!p1 s10, $0x3  }
0x2b: {  	v2 =	vmov @!p1 s8;
	s10 =	simm.s32 @!p1 $0x80;
	s8 =	sadd.s32 @!p1 s1, s9;
	s9 =	simm.s32 @!p1 $0x0  }
0x2c: {  	[tilespmem:s10], [sflag:$0x1] =	stream.linear.gather @!p1 [hbm4b:s8+s9], $0x400, $0x38;
	[tilespmem:$0x880] =	vst v63  }
0x2d: {  	_ =	swait.ge @!p1 [sflag:s11], $0x400  }
0x2e: {  	[sflag:s11] =	ssyncset.done @!p1 $0x0  }
0x2f: {  	v3 =	vimm.f32 @!p1 $1.000000000e+00;
	[sflag:s11] =	ssyncadd.s32 @!p1 $0xFFFFFC00  }
0x30: {  	[tilespmem:v2+s10+$0x0] =	vst.idx.msk @!p1 $0x1, v3  }
0x31: {  	[hbm4b:s8+s9] =	stream.linear.scatter @!p1 [tilespmem:s10], [sflag:$0x1], $0x400, $0x38;
	[tilespmem:$0x880] =	vst v63  }
0x32: {  	v2 =	vnsel vm1, $0x80000000, v1;
	_ =	swait.ge [sflag:s7], $0x400  }
0x33: {  	(xrf0) =	vmax.scan.msk.u32 $0xffff, v2;
	_ =	sdelay $0x5  }
0x34: {  	v2, _, _ =	vpop (xrf0)  }
0x35: {  	(v2sf) =	vpush v2, $0xF;
	_ =	sdelay $0xe  }
0x36: {  	s8 =	spop (v2sf)  }
0x37: {  	s9 =	sxor.u32 $0x80000000, s8  }
0x38: {  	p1 =	sgt.s32 s9, $0xF41FF  }
0x39: {  	p2 =	sgt.s32 @!p1 s8, $0xFFFFFFFF;
	p3 =	slt.s32 @!p1 s9, $0x1;
	s10 =	sand.u32 @!p1 $0x7F, s8  }
0x3a: {  	p2 =	por @!p1 p2, p3;
	p3 =	sne.s32 @!p1 s10, $0x0  }
0x3b: {  	s10 =	sshra.s32 @!p1 s9, $0x1F;
	p2 =	por @!p1 !p3, !p2  }
0x3c: {  	s10 =	sshrl.u32 @!p1 s10, $0x19;
	p2 =	por @!p1 !p2, !p2  }
0x3d: {  	s11 =	simm.s32 @!p1 $0x1;
	s10 =	sadd.s32 @!p1 s10, s9;
	p2 =	por !p2, p1  }
0x3e: {  	s10 =	sshra.s32 @!p1 s10, $0x7;
	s11 =	simm.s32 @p2 $0x0  }
0x3f: {  	s10 =	ssub.s32 @!p1 s10, s11  }
0x40: {  	s11 =	sshll.u32 @!p1 s10, $0xA;
	s10 =	sshll.u32 @!p1 s10, $0x7  }
0x41: {  	s8 =	sadd.s32 @p1 $0x7FF0BE00, s8;
	s11 =	sadd.s32 @!p1 s3, s11;
	s9 =	ssub.s32 @!p1 s9, s10  }
0x42: {  	v2 =	vmov @p1 s8;
	v3 =	vmov @!p1 s9;
	s8 =	sshrl.u32 @!p1 s11, $0x3  }
0x43: {  	[sflag:s7] =	ssyncset.done $0x0;
	s9 =	simm.s32 @!p1 $0x80;
	s8 =	sadd.s32 @!p1 s1, s8;
	v2 =	vpsel p1, v2, v3  }
0x44: {  	[sflag:s7] =	ssyncadd.s32 $0xFFFFFC00;
	s9 =	simm.s32 @p1 $0x480;
	s8 =	smov.u32 @p1 s5;
	v2 =	vadd.s32 $0x80, v2  }
0x45: {  	[tilespmem:s9], [sflag:$0x1] =	stream.linear.gather [hbm4b:s8+s2], $0x400, $0x38;
	[tilespmem:$0x880] =	vst v63  }
0x46: {  	_ =	swait.ge [sflag:s7], $0x400  }
0x47: {  	[sflag:s7] =	ssyncset.done $0x0  }
0x48: {  	[sflag:s7] =	ssyncadd.s32 $0xFFFFFC00  }
0x49: {  	[tilespmem:v2+s9+$0x0] =	vst.idx.msk $0x1, v0  }
0x4a: {  	[hbm4b:s8+s2] =	stream.linear.scatter [tilespmem:s9], [sflag:$0x1], $0x400, $0x38;
	[tilespmem:$0x880] =	vst v63  }
0x4b: {  	v2 =	vnsel vm2, $0x80000000, v1;
	_ =	swait.ge [sflag:s7], $0x400  }
0x4c: {  	(xrf0) =	vmax.scan.msk.u32 $0xffff, v2;
	_ =	sdelay $0x5  }
0x4d: {  	v2, _, _ =	vpop (xrf0)  }
0x4e: {  	(v2sf) =	vpush v2, $0xF;
	_ =	sdelay $0xe  }
0x4f: {  	s8 =	spop (v2sf)  }
0x50: {  	s9 =	sxor.u32 $0x80000000, s8  }
0x51: {  	p1 =	sgt.s32 s9, $0xF41FF  }
0x52: {  	p2 =	sgt.s32 @!p1 s8, $0xFFFFFFFF;
	p3 =	slt.s32 @!p1 s9, $0x1;
	s10 =	sand.u32 @!p1 $0x7F, s8  }
0x53: {  	p2 =	por @!p1 p2, p3;
	p3 =	sne.s32 @!p1 s10, $0x0  }
0x54: {  	s10 =	sshra.s32 @!p1 s9, $0x1F;
	p2 =	por @!p1 !p3, !p2  }
0x55: {  	s10 =	sshrl.u32 @!p1 s10, $0x19;
	p2 =	por @!p1 !p2, !p2  }
0x56: {  	s11 =	simm.s32 @!p1 $0x1;
	s10 =	sadd.s32 @!p1 s10, s9;
	p2 =	por !p2, p1  }
0x57: {  	s10 =	sshra.s32 @!p1 s10, $0x7;
	s11 =	simm.s32 @p2 $0x0  }
0x58: {  	s10 =	ssub.s32 @!p1 s10, s11  }
0x59: {  	s11 =	sshll.u32 @!p1 s10, $0xA;
	s10 =	sshll.u32 @!p1 s10, $0x7  }
0x5a: {  	s8 =	sadd.s32 @p1 $0x7FF0BE00, s8;
	s11 =	sadd.s32 @!p1 s3, s11;
	s9 =	ssub.s32 @!p1 s9, s10  }
0x5b: {  	v2 =	vmov @p1 s8;
	v3 =	vmov @!p1 s9;
	s8 =	sshrl.u32 @!p1 s11, $0x3  }
0x5c: {  	[sflag:s7] =	ssyncset.done $0x0;
	s9 =	simm.s32 @!p1 $0x80;
	s8 =	sadd.s32 @!p1 s1, s8;
	v2 =	vpsel p1, v2, v3  }
0x5d: {  	[sflag:s7] =	ssyncadd.s32 $0xFFFFFC00;
	s9 =	simm.s32 @p1 $0x480;
	s8 =	smov.u32 @p1 s5;
	v2 =	vadd.s32 $0x100, v2  }
0x5e: {  	[tilespmem:s9], [sflag:$0x1] =	stream.linear.gather [hbm4b:s8+s2], $0x400, $0x38;
	[tilespmem:$0x880] =	vst v63  }
0x5f: {  	_ =	swait.ge [sflag:s7], $0x400  }
0x60: {  	[sflag:s7] =	ssyncset.done $0x0  }
0x61: {  	[sflag:s7] =	ssyncadd.s32 $0xFFFFFC00  }
0x62: {  	[tilespmem:v2+s9+$0x0] =	vst.idx.msk $0x1, v0  }
0x63: {  	[hbm4b:s8+s2] =	stream.linear.scatter [tilespmem:s9], [sflag:$0x1], $0x400, $0x38;
	[tilespmem:$0x880] =	vst v63  }
0x64: {  	v2 =	vnsel vm3, $0x80000000, v1;
	_ =	swait.ge [sflag:s7], $0x400  }
0x65: {  	(xrf0) =	vmax.scan.msk.u32 $0xffff, v2;
	_ =	sdelay $0x5  }
0x66: {  	v2, _, _ =	vpop (xrf0)  }
0x67: {  	(v2sf) =	vpush v2, $0xF;
	_ =	sdelay $0xe  }
0x68: {  	s8 =	spop (v2sf)  }
0x69: {  	s9 =	sxor.u32 $0x80000000, s8  }
0x6a: {  	p1 =	sgt.s32 s9, $0xF41FF  }
0x6b: {  	p2 =	sgt.s32 @!p1 s8, $0xFFFFFFFF;
	p3 =	slt.s32 @!p1 s9, $0x1;
	s10 =	sand.u32 @!p1 $0x7F, s8  }
0x6c: {  	p2 =	por @!p1 p2, p3;
	p3 =	sne.s32 @!p1 s10, $0x0  }
0x6d: {  	s10 =	sshra.s32 @!p1 s9, $0x1F;
	p2 =	por @!p1 !p3, !p2  }
0x6e: {  	s10 =	sshrl.u32 @!p1 s10, $0x19;
	p2 =	por @!p1 !p2, !p2  }
0x6f: {  	s11 =	simm.s32 @!p1 $0x1;
	s10 =	sadd.s32 @!p1 s10, s9;
	p2 =	por !p2, p1  }
0x70: {  	s10 =	sshra.s32 @!p1 s10, $0x7;
	s11 =	simm.s32 @p2 $0x0  }
0x71: {  	s10 =	ssub.s32 @!p1 s10, s11  }
0x72: {  	s11 =	sshll.u32 @!p1 s10, $0xA;
	s10 =	sshll.u32 @!p1 s10, $0x7  }
0x73: {  	s8 =	sadd.s32 @p1 $0x7FF0BE00, s8;
	s11 =	sadd.s32 @!p1 s3, s11;
	s9 =	ssub.s32 @!p1 s9, s10  }
0x74: {  	v2 =	vmov @p1 s8;
	v3 =	vmov @!p1 s9;
	s8 =	sshrl.u32 @!p1 s11, $0x3  }
0x75: {  	[sflag:s7] =	ssyncset.done $0x0;
	s9 =	simm.s32 @!p1 $0x80;
	s8 =	sadd.s32 @!p1 s1, s8;
	v2 =	vpsel p1, v2, v3  }
0x76: {  	[sflag:s7] =	ssyncadd.s32 $0xFFFFFC00;
	s9 =	simm.s32 @p1 $0x480;
	s8 =	smov.u32 @p1 s5;
	v2 =	vadd.s32 $0x180, v2  }
0x77: {  	[tilespmem:s9], [sflag:$0x1] =	stream.linear.gather [hbm4b:s8+s2], $0x400, $0x38;
	[tilespmem:$0x880] =	vst v63  }
0x78: {  	_ =	swait.ge [sflag:s7], $0x400  }
0x79: {  	[sflag:s7] =	ssyncset.done $0x0  }
0x7a: {  	[sflag:s7] =	ssyncadd.s32 $0xFFFFFC00  }
0x7b: {  	[tilespmem:v2+s9+$0x0] =	vst.idx.msk $0x1, v0  }
0x7c: {  	[hbm4b:s8+s2] =	stream.linear.scatter [tilespmem:s9], [sflag:$0x1], $0x400, $0x38;
	[tilespmem:$0x880] =	vst v63  }
0x7d: {  	v2 =	vnsel vm4, $0x80000000, v1;
	_ =	swait.ge [sflag:s7], $0x400  }
0x7e: {  	(xrf0) =	vmax.scan.msk.u32 $0xffff, v2;
	_ =	sdelay $0x5  }
0x7f: {  	v2, _, _ =	vpop (xrf0)  }
0x80: {  	(v2sf) =	vpush v2, $0xF;
	_ =	sdelay $0xe  }
0x81: {  	s8 =	spop (v2sf)  }
0x82: {  	s9 =	sxor.u32 $0x80000000, s8  }
0x83: {  	p1 =	sgt.s32 s9, $0xF41FF  }
0x84: {  	p2 =	sgt.s32 @!p1 s8, $0xFFFFFFFF;
	p3 =	slt.s32 @!p1 s9, $0x1;
	s10 =	sand.u32 @!p1 $0x7F, s8  }
0x85: {  	p2 =	por @!p1 p2, p3;
	p3 =	sne.s32 @!p1 s10, $0x0  }
0x86: {  	s10 =	sshra.s32 @!p1 s9, $0x1F;
	p2 =	por @!p1 !p3, !p2  }
0x87: {  	s10 =	sshrl.u32 @!p1 s10, $0x19;
	p2 =	por @!p1 !p2, !p2  }
0x88: {  	s11 =	simm.s32 @!p1 $0x1;
	s10 =	sadd.s32 @!p1 s10, s9;
	p2 =	por !p2, p1  }
0x89: {  	s10 =	sshra.s32 @!p1 s10, $0x7;
	s11 =	simm.s32 @p2 $0x0  }
0x8a: {  	s10 =	ssub.s32 @!p1 s10, s11  }
0x8b: {  	s11 =	sshll.u32 @!p1 s10, $0xA;
	s10 =	sshll.u32 @!p1 s10, $0x7  }
0x8c: {  	s8 =	sadd.s32 @p1 $0x7FF0BE00, s8;
	s11 =	sadd.s32 @!p1 s3, s11;
	s9 =	ssub.s32 @!p1 s9, s10  }
0x8d: {  	v2 =	vmov @p1 s8;
	v3 =	vmov @!p1 s9;
	s8 =	sshrl.u32 @!p1 s11, $0x3  }
0x8e: {  	[sflag:s7] =	ssyncset.done $0x0;
	s9 =	simm.s32 @!p1 $0x80;
	s8 =	sadd.s32 @!p1 s1, s8;
	v2 =	vpsel p1, v2, v3  }
0x8f: {  	[sflag:s7] =	ssyncadd.s32 $0xFFFFFC00;
	s9 =	simm.s32 @p1 $0x480;
	s8 =	smov.u32 @p1 s5;
	v2 =	vadd.s32 $0x200, v2  }
0x90: {  	[tilespmem:s9], [sflag:$0x1] =	stream.linear.gather [hbm4b:s8+s2], $0x400, $0x38;
	[tilespmem:$0x880] =	vst v63  }
0x91: {  	_ =	swait.ge [sflag:s7], $0x400  }
0x92: {  	[sflag:s7] =	ssyncset.done $0x0  }
0x93: {  	[sflag:s7] =	ssyncadd.s32 $0xFFFFFC00  }
0x94: {  	[tilespmem:v2+s9+$0x0] =	vst.idx.msk $0x1, v0  }
0x95: {  	[hbm4b:s8+s2] =	stream.linear.scatter [tilespmem:s9], [sflag:$0x1], $0x400, $0x38;
	[tilespmem:$0x880] =	vst v63  }
0x96: {  	v2 =	vnsel vm5, $0x80000000, v1;
	_ =	swait.ge [sflag:s7], $0x400  }
0x97: {  	(xrf0) =	vmax.scan.msk.u32 $0xffff, v2;
	_ =	sdelay $0x5  }
0x98: {  	v2, _, _ =	vpop (xrf0)  }
0x99: {  	(v2sf) =	vpush v2, $0xF;
	_ =	sdelay $0xe  }
0x9a: {  	s8 =	spop (v2sf)  }
0x9b: {  	s9 =	sxor.u32 $0x80000000, s8  }
0x9c: {  	p1 =	sgt.s32 s9, $0xF41FF  }
0x9d: {  	p2 =	sgt.s32 @!p1 s8, $0xFFFFFFFF;
	p3 =	slt.s32 @!p1 s9, $0x1;
	s10 =	sand.u32 @!p1 $0x7F, s8  }
0x9e: {  	p2 =	por @!p1 p2, p3;
	p3 =	sne.s32 @!p1 s10, $0x0  }
0x9f: {  	s10 =	sshra.s32 @!p1 s9, $0x1F;
	p2 =	por @!p1 !p3, !p2  }
0xa0: {  	s10 =	sshrl.u32 @!p1 s10, $0x19;
	p2 =	por @!p1 !p2, !p2  }
0xa1: {  	s11 =	simm.s32 @!p1 $0x1;
	s10 =	sadd.s32 @!p1 s10, s9;
	p2 =	por !p2, p1  }
0xa2: {  	s10 =	sshra.s32 @!p1 s10, $0x7;
	s11 =	simm.s32 @p2 $0x0  }
0xa3: {  	s10 =	ssub.s32 @!p1 s10, s11  }
0xa4: {  	s11 =	sshll.u32 @!p1 s10, $0xA;
	s10 =	sshll.u32 @!p1 s10, $0x7  }
0xa5: {  	s8 =	sadd.s32 @p1 $0x7FF0BE00, s8;
	s11 =	sadd.s32 @!p1 s3, s11;
	s9 =	ssub.s32 @!p1 s9, s10  }
0xa6: {  	v2 =	vmov @p1 s8;
	v3 =	vmov @!p1 s9;
	s8 =	sshrl.u32 @!p1 s11, $0x3  }
0xa7: {  	[sflag:s7] =	ssyncset.done $0x0;
	s9 =	simm.s32 @!p1 $0x80;
	s8 =	sadd.s32 @!p1 s1, s8;
	v2 =	vpsel p1, v2, v3  }
0xa8: {  	[sflag:s7] =	ssyncadd.s32 $0xFFFFFC00;
	s9 =	simm.s32 @p1 $0x480;
	s8 =	smov.u32 @p1 s5;
	v2 =	vadd.s32 $0x280, v2  }
0xa9: {  	[tilespmem:s9], [sflag:$0x1] =	stream.linear.gather [hbm4b:s8+s2], $0x400, $0x38;
	[tilespmem:$0x880] =	vst v63  }
0xaa: {  	_ =	swait.ge [sflag:s7], $0x400  }
0xab: {  	[sflag:s7] =	ssyncset.done $0x0  }
0xac: {  	[sflag:s7] =	ssyncadd.s32 $0xFFFFFC00  }
0xad: {  	[tilespmem:v2+s9+$0x0] =	vst.idx.msk $0x1, v0  }
0xae: {  	[hbm4b:s8+s2] =	stream.linear.scatter [tilespmem:s9], [sflag:$0x1], $0x400, $0x38;
	[tilespmem:$0x880] =	vst v63  }
0xaf: {  	v2 =	vnsel vm6, $0x80000000, v1;
	_ =	swait.ge [sflag:s7], $0x400  }
0xb0: {  	(xrf0) =	vmax.scan.msk.u32 $0xffff, v2;
	_ =	sdelay $0x5  }
0xb1: {  	v2, _, _ =	vpop (xrf0)  }
0xb2: {  	(v2sf) =	vpush v2, $0xF;
	_ =	sdelay $0xe  }
0xb3: {  	s8 =	spop (v2sf)  }
0xb4: {  	s9 =	sxor.u32 $0x80000000, s8  }
0xb5: {  	p1 =	sgt.s32 s9, $0xF41FF  }
0xb6: {  	p2 =	sgt.s32 @!p1 s8, $0xFFFFFFFF;
	p3 =	slt.s32 @!p1 s9, $0x1;
	s10 =	sand.u32 @!p1 $0x7F, s8  }
0xb7: {  	p2 =	por @!p1 p2, p3;
	p3 =	sne.s32 @!p1 s10, $0x0  }
0xb8: {  	s10 =	sshra.s32 @!p1 s9, $0x1F;
	p2 =	por @!p1 !p3, !p2  }
0xb9: {  	s10 =	sshrl.u32 @!p1 s10, $0x19;
	p2 =	por @!p1 !p2, !p2  }
0xba: {  	s11 =	simm.s32 @!p1 $0x1;
	s10 =	sadd.s32 @!p1 s10, s9;
	p2 =	por !p2, p1  }
0xbb: {  	s10 =	sshra.s32 @!p1 s10, $0x7;
	s11 =	simm.s32 @p2 $0x0  }
0xbc: {  	s10 =	ssub.s32 @!p1 s10, s11  }
0xbd: {  	s11 =	sshll.u32 @!p1 s10, $0xA;
	s10 =	sshll.u32 @!p1 s10, $0x7  }
0xbe: {  	s8 =	sadd.s32 @p1 $0x7FF0BE00, s8;
	s11 =	sadd.s32 @!p1 s3, s11;
	s9 =	ssub.s32 @!p1 s9, s10  }
0xbf: {  	v2 =	vmov @p1 s8;
	v3 =	vmov @!p1 s9;
	s8 =	sshrl.u32 @!p1 s11, $0x3  }
0xc0: {  	[sflag:s7] =	ssyncset.done $0x0;
	s9 =	simm.s32 @!p1 $0x80;
	s8 =	sadd.s32 @!p1 s1, s8;
	v2 =	vpsel p1, v2, v3  }
0xc1: {  	[sflag:s7] =	ssyncadd.s32 $0xFFFFFC00;
	s9 =	simm.s32 @p1 $0x480;
	s8 =	smov.u32 @p1 s5;
	v2 =	vadd.s32 $0x300, v2  }
0xc2: {  	[tilespmem:s9], [sflag:$0x1] =	stream.linear.gather [hbm4b:s8+s2], $0x400, $0x38;
	[tilespmem:$0x880] =	vst v63  }
0xc3: {  	_ =	swait.ge [sflag:s7], $0x400  }
0xc4: {  	[sflag:s7] =	ssyncset.done $0x0  }
0xc5: {  	[sflag:s7] =	ssyncadd.s32 $0xFFFFFC00  }
0xc6: {  	[tilespmem:v2+s9+$0x0] =	vst.idx.msk $0x1, v0  }
0xc7: {  	[hbm4b:s8+s2] =	stream.linear.scatter [tilespmem:s9], [sflag:$0x1], $0x400, $0x38;
	[tilespmem:$0x880] =	vst v63  }
0xc8: {  	v1 =	vnsel vm7, $0x80000000, v1;
	_ =	swait.ge [sflag:s7], $0x400  }
0xc9: {  	(xrf0) =	vmax.scan.msk.u32 $0xffff, v1;
	_ =	sdelay $0x5  }
0xca: {  	v1, _, _ =	vpop (xrf0)  }
0xcb: {  	(v2sf) =	vpush v1, $0xF;
	_ =	sdelay $0xe  }
0xcc: {  	s8 =	spop (v2sf)  }
0xcd: {  	s9 =	sxor.u32 $0x80000000, s8  }
0xce: {  	p1 =	sgt.s32 s9, $0xF41FF  }
0xcf: {  	p2 =	sgt.s32 @!p1 s8, $0xFFFFFFFF;
	p3 =	slt.s32 @!p1 s9, $0x1;
	s10 =	sand.u32 @!p1 $0x7F, s8  }
0xd0: {  	p2 =	por @!p1 p2, p3;
	p3 =	sne.s32 @!p1 s10, $0x0  }
0xd1: {  	s10 =	sshra.s32 @!p1 s9, $0x1F;
	p2 =	por @!p1 !p3, !p2  }
0xd2: {  	s10 =	sshrl.u32 @!p1 s10, $0x19;
	p2 =	por @!p1 !p2, !p2  }
0xd3: {  	s11 =	simm.s32 @!p1 $0x1;
	s10 =	sadd.s32 @!p1 s10, s9;
	p2 =	por !p2, p1  }
0xd4: {  	s10 =	sshra.s32 @!p1 s10, $0x7;
	s11 =	simm.s32 @p2 $0x0  }
0xd5: {  	s10 =	ssub.s32 @!p1 s10, s11  }
0xd6: {  	s11 =	sshll.u32 @!p1 s10, $0xA;
	s10 =	sshll.u32 @!p1 s10, $0x7  }
0xd7: {  	s8 =	sadd.s32 @p1 $0x7FF0BE00, s8;
	s11 =	sadd.s32 @!p1 s3, s11;
	s9 =	ssub.s32 @!p1 s9, s10  }
0xd8: {  	v1 =	vmov @p1 s8;
	v2 =	vmov @!p1 s9;
	s8 =	sshrl.u32 @!p1 s11, $0x3  }
0xd9: {  	[sflag:s7] =	ssyncset.done $0x0;
	s9 =	simm.s32 @!p1 $0x80;
	s8 =	sadd.s32 @!p1 s1, s8;
	v1 =	vpsel p1, v1, v2  }
0xda: {  	[sflag:s7] =	ssyncadd.s32 $0xFFFFFC00;
	s9 =	simm.s32 @p1 $0x480;
	s8 =	smov.u32 @p1 s5;
	v1 =	vadd.s32 $0x380, v1  }
0xdb: {  	[tilespmem:s9], [sflag:$0x1] =	stream.linear.gather [hbm4b:s8+s2], $0x400, $0x38;
	[tilespmem:$0x880] =	vst v63  }
0xdc: {  	_ =	swait.ge [sflag:s7], $0x400  }
0xdd: {  	[sflag:s7] =	ssyncset.done $0x0  }
0xde: {  	[sflag:s7] =	ssyncadd.s32 $0xFFFFFC00  }
.Ltmp3:
0xdf: {  	[tilespmem:v1+s9+$0x0] =	vst.idx.msk $0x1, v0;
	(pc) =	sbr.rel .LBB2_3-.Ltmp3, $4  }
0xe0: {  	[hbm4b:s8+s2] =	stream.linear.scatter [tilespmem:s9], [sflag:$0x1], $0x400, $0x38;
	[tilespmem:$0x880] =	vst v63  }
0xe1: {  	_ =	swait.ge [sflag:s7], $0x400  }
0xe2: {  	[sflag:s7] =	ssyncset.done $0x0  }
0xe3: {  	[sflag:s7] =	ssyncadd.s32 $0xFFFFFC00  }
.LBB2_4:
0xe4: {  	_ =	sfence.sel $0x180000  }
0xe5: {  	[bflag:$0x0] =	sbarrier.arrive $0xFFFF  }
0xe6: {  	_ =	strace $0x90000047  }
0xe7: {  	s0 =	sadd.s32 @!p0 $0x100000, s0;
	[bflag:$0x2] =	sbarrier.arrive $0xFFFF  }
0xe8: {  	[sflag:s0] =	ssyncadd.tile.s32 @!p0 $0x1;
	_ =	shalt  }
.Lfunc_end2:
_tile_overlayer_lowered:
.L_overlay_start_2:
0xe9: {  	(tag) =	ssettag $0x2  }
0xea: {  	s0 =	rddreg [dreg:$0x0];
	s2 =	stileid.u32  }
0xeb: {  	s1 =	rddreg [dreg:$0x1];
	p0 =	sne.s32 s2, $0x0  }
0xec: {  	s3 =	rddreg [dreg:$0x2];
	[bflag:$0x3] =	sbarrier.arrive $0xFFFF;
	s2 =	simm.s32 @!p0 $0x1C01  }
0xed: {  	[timem:s3], [sflag:s2] =	dma.local @!p0 [hbm:s0], s1  }
0xee: {  	s0 =	simm.s32 @!p0 $0x1  }
0xef: {  	_ =	swait.ge @!p0 [sflag:s0], s1  }
0xf0: {  	s1 =	ssub.s32 @!p0 $0x0, s1;
	[sflag:s0] =	ssyncset.done @!p0 $0x0  }
0xf1: {  	[sflag:s0] =	ssyncadd.s32 @!p0 s1  }
0xf2: {  	[bflag:$0x3] =	sbarrier.arrive $0xFFFF  }
0xf3: {  	_ =	shalt  }

</sc_bundles>
